<compile_context>
chip_gen: v7x
topology: tpu7x:2x2x1
jax: 0.10.2.dev20260603
libtpu: 0.0.44.dev20260713+nightly
codegen_flags: <defaults>
</compile_context>

<pallas_src>
import functools

import jax
import jax.numpy as jnp
from jax import lax
from jax.experimental import pallas as pl
from jax.experimental.pallas import tpu as pltpu
from jax.experimental.pallas import tpu_sc as plsc

B = 16384
O = 200
P = B * O
NC, NS = 2, 16
NW = NC * NS
E_W = P // NW
CHUNK = 3200
NCH = E_W // CHUNK
GROUPS = CHUNK // 16

INV = float(1.0 / 128.0)


def _compute_chunk(ibuf, obuf):

    def grp(g):
        t = g * 16
        xs = [ibuf[pl.ds(j * CHUNK + t, 16)] for j in range(6)]
        p = xs[4]
        c = xs[5].astype(jnp.int32)
        cg = c // 3
        cr = c % 3
        zero = jnp.zeros((16,), jnp.float32)
        for j in range(4):
            obuf[pl.ds(j * CHUNK + t, 16)] = xs[j] * INV
        for j in range(3):
            obuf[pl.ds((4 + j) * CHUNK + t, 16)] = jnp.where(cg == j, p, zero)
        for j in range(3):
            obuf[pl.ds((7 + j) * CHUNK + t, 16)] = jnp.where(cr == j, p, zero)
        obuf[pl.ds(10 * CHUNK + t, 16)] = p

    plsc.parallel_loop(0, GROUPS, 1, unroll=8)(grp)


def _body(x_hbm, out_hbm, ibuf, obuf):
    wid = lax.axis_index("s") * NC + lax.axis_index("c")
    wbase = wid * E_W

    def chunk(ci, carry):
        off = wbase + ci * CHUNK
        for j in range(6):
            pltpu.sync_copy(
                x_hbm.at[pl.ds(j * P + off, CHUNK)], ibuf.at[pl.ds(j * CHUNK, CHUNK)]
            )
        _compute_chunk(ibuf, obuf)
        for j in range(11):
            pltpu.sync_copy(
                obuf.at[pl.ds(j * CHUNK, CHUNK)], out_hbm.at[pl.ds(j * P + off, CHUNK)]
            )
        return carry

    lax.fori_loop(0, NCH, chunk, 0)


@jax.jit
def kernel(x):
    xf = (
        x.reshape(B // 128, 128, O // 8, 8, 6)
        .transpose(4, 2, 0, 3, 1)
        .reshape(-1)
    )
    mesh = plsc.VectorSubcoreMesh(
        core_axis_name="c", subcore_axis_name="s", num_cores=NC, num_subcores=NS
    )
    outf = pl.kernel(
        _body,
        out_type=jax.ShapeDtypeStruct((11 * P,), jnp.float32),
        mesh=mesh,
        scratch_types=[
            pltpu.VMEM((6 * CHUNK,), jnp.float32),
            pltpu.VMEM((11 * CHUNK,), jnp.float32),
        ],
        compiler_params=pltpu.CompilerParams(needs_layout_passes=False),
    )(xf)
    return (
        outf.reshape(11, O // 8, B // 128, 8, 128)
        .transpose(2, 4, 1, 3, 0)
        .reshape(B, O, 11)
    )

# --- scband reference (transcript-rebuilt; emitter-appended) ---
"""Pipeline reference for scband-fcnnpreprocess-31645319037295 (READ-ONLY COPY).

The authoritative reference and input builder live on the scoring server;
editing this copy changes nothing except your own understanding.
"""

import jax, jax.numpy as jnp
import numpy as np

IMG_SIZE = 128.0
COLORS = jnp.array([[1, 0, 0], [1, 0, 0], [1, 0, 0],
                    [0, 1, 0], [0, 1, 0], [0, 1, 0],
                    [0, 0, 1], [0, 0, 1], [0, 0, 1]], dtype=jnp.float32)
SHAPES = jnp.array([[1, 0, 0], [0, 1, 0], [0, 0, 1],
                    [1, 0, 0], [0, 1, 0], [0, 0, 1],
                    [1, 0, 0], [0, 1, 0], [0, 0, 1]], dtype=jnp.float32)


def setup_inputs(seed: int = 0) -> dict:
    key = jax.random.key(seed)
    # x values uniform in [0,1): coords in [0,1), prob in [0,1), class column
    # truncates to class_id=0 which is a valid index into the 9-row tables.
    x = jax.random.uniform(key, (16384, 200, 6), dtype=jnp.float32)
    return {"x": x}


def reference(x):
    # Vectorized, math-identical version of the per-object torch loop:
    # for each object slot: gather color/shape one-hots by class id, scale by
    # objectness prob, normalize xyxy by img_size, concat to 11-dim vector.
    class_id = x[..., -1].astype(jnp.int32)            # [B, O]
    prob = x[..., -2:-1]                               # [B, O, 1]
    color = jnp.take(COLORS, class_id, axis=0) * prob  # [B, O, 3]
    shape = jnp.take(SHAPES, class_id, axis=0) * prob  # [B, O, 3]
    xyxy = x[..., 0:4] / IMG_SIZE                      # [B, O, 4]
    return jnp.concatenate([xyxy, color, shape, prob], axis=-1)  # [B, O, 11]

if __name__ == "__main__":
    import jax
    _d = setup_inputs()
    print(jax.jit(kernel)(*tuple(_d.values())))

</pallas_src>

<mosaic_0001>
#map = affine_map<(d0, d1) -> (0)>
module attributes {stable_mosaic.version = 14 : i64} {
  func.func @_body(%arg0: i32, %arg1: i32, %arg2: memref<19660800xf32, #tpu.memory_space<hbm>>, %arg3: memref<36044800xf32, #tpu.memory_space<hbm>>, %arg4: memref<19200xf32, #tpu.memory_space<vmem>>, %arg5: memref<35200xf32, #tpu.memory_space<vmem>>) attributes {dimension_semantics = [#tpu.dimension_semantics<core_parallel>, #tpu.dimension_semantics<subcore_parallel>], iteration_bounds = array<i64: 2, 16>, scalar_prefetch = 0 : i64, scratch_operands = 2 : i64, tpu.core_type = #tpu.core_type<sc_vector_subcore>, window_params = [{transform_indices = #map}, {transform_indices = #map}]} {
    %mul3A = arith.constant 2 : i32
    %mul3A_0 = arith.muli %arg1, %mul3A : i32
    %add3A = arith.addi %mul3A_0, %arg0 : i32
    %mul3A_1 = arith.constant 102400 : i32
    %mul3A_2 = arith.muli %add3A, %mul3A_1 : i32
    %scan3A = arith.constant 0 : i32
    %scan3A_3 = arith.constant 0 : i32
    %scan3A_4 = arith.constant 32 : i32
    %scan3A_5 = arith.addi %scan3A_3, %scan3A_4 : i32
    %scan3A_6 = arith.constant 1 : i32
    scf.for %scan3A_8 = %scan3A_3 to %scan3A_5 step %scan3A_6  : i32 {
      %mul3A_9 = arith.constant 3200 : i32
      %mul3A_10 = arith.muli %scan3A_8, %mul3A_9 : i32
      %add3A_11 = arith.addi %mul3A_2, %mul3A_10 : i32
      %add3A_12 = arith.constant 0 : i32
      %add3A_13 = arith.addi %add3A_12, %add3A_11 : i32
      "tpu.region"() ({
        %run_scoped3A = tpu.sem_alloc : memref<!tpu.dma_semaphore, #tpu.memory_space<semaphore_mem>>
        %dma_start3A = arith.constant 0 : i32
        %dma_start3A_48 = tpu.memref_slice %arg4[%dma_start3A] : memref<19200xf32, #tpu.memory_space<vmem>> -> memref<3200xf32, #tpu.memory_space<vmem>>
        %dma_start3A_49 = tpu.memref_slice %arg2[%add3A_13] : memref<19660800xf32, #tpu.memory_space<hbm>> -> memref<3200xf32, #tpu.memory_space<hbm>>
        %dma_start3A_50 = arith.constant 0 : i32
        %dma_start3A_51 = tpu.memref_slice %arg4[%dma_start3A_50] : memref<19200xf32, #tpu.memory_space<vmem>> -> memref<3200xf32, #tpu.memory_space<vmem>>
        %dma_start3A_52 = tpu.memref_slice %arg2[%add3A_13] : memref<19660800xf32, #tpu.memory_space<hbm>> -> memref<3200xf32, #tpu.memory_space<hbm>>
        tpu.enqueue_dma source(%dma_start3A_52 : memref<3200xf32, #tpu.memory_space<hbm>>) target(%dma_start3A_51 : memref<3200xf32, #tpu.memory_space<vmem>>) target_semaphore(%run_scoped3A : memref<!tpu.dma_semaphore, #tpu.memory_space<semaphore_mem>>)
        %dma_wait3A = arith.constant 0 : i32
        %dma_wait3A_53 = tpu.memref_slice %arg4[%dma_wait3A] : memref<19200xf32, #tpu.memory_space<vmem>> -> memref<3200xf32, #tpu.memory_space<vmem>>
        %dma_wait3A_54 = tpu.memref_slice %arg2[%add3A_13] : memref<19660800xf32, #tpu.memory_space<hbm>> -> memref<3200xf32, #tpu.memory_space<hbm>>
        %dma_wait3A_55 = arith.constant 0 : i32
        %dma_wait3A_56 = tpu.memref_slice %arg4[%dma_wait3A_55] : memref<19200xf32, #tpu.memory_space<vmem>> -> memref<3200xf32, #tpu.memory_space<vmem>>
        %dma_wait3A_57 = tpu.memref_slice %arg2[%add3A_13] : memref<19660800xf32, #tpu.memory_space<hbm>> -> memref<3200xf32, #tpu.memory_space<hbm>>
        tpu.wait_dma2 semaphore(%run_scoped3A : memref<!tpu.dma_semaphore, #tpu.memory_space<semaphore_mem>>) src(%dma_wait3A_57 : memref<3200xf32, #tpu.memory_space<hbm>>) dst(%dma_wait3A_56 : memref<3200xf32, #tpu.memory_space<vmem>>)
        tpu.yield
      }) : () -> ()
      %add3A_14 = arith.constant 3276800 : i32
      %add3A_15 = arith.addi %add3A_14, %add3A_11 : i32
      "tpu.region"() ({
        %run_scoped3A = tpu.sem_alloc : memref<!tpu.dma_semaphore, #tpu.memory_space<semaphore_mem>>
        %dma_start3A = arith.constant 3200 : i32
        %dma_start3A_48 = tpu.memref_slice %arg4[%dma_start3A] : memref<19200xf32, #tpu.memory_space<vmem>> -> memref<3200xf32, #tpu.memory_space<vmem>>
        %dma_start3A_49 = tpu.memref_slice %arg2[%add3A_15] : memref<19660800xf32, #tpu.memory_space<hbm>> -> memref<3200xf32, #tpu.memory_space<hbm>>
        %dma_start3A_50 = arith.constant 3200 : i32
        %dma_start3A_51 = tpu.memref_slice %arg4[%dma_start3A_50] : memref<19200xf32, #tpu.memory_space<vmem>> -> memref<3200xf32, #tpu.memory_space<vmem>>
        %dma_start3A_52 = tpu.memref_slice %arg2[%add3A_15] : memref<19660800xf32, #tpu.memory_space<hbm>> -> memref<3200xf32, #tpu.memory_space<hbm>>
        tpu.enqueue_dma source(%dma_start3A_52 : memref<3200xf32, #tpu.memory_space<hbm>>) target(%dma_start3A_51 : memref<3200xf32, #tpu.memory_space<vmem>>) target_semaphore(%run_scoped3A : memref<!tpu.dma_semaphore, #tpu.memory_space<semaphore_mem>>)
        %dma_wait3A = arith.constant 3200 : i32
        %dma_wait3A_53 = tpu.memref_slice %arg4[%dma_wait3A] : memref<19200xf32, #tpu.memory_space<vmem>> -> memref<3200xf32, #tpu.memory_space<vmem>>
        %dma_wait3A_54 = tpu.memref_slice %arg2[%add3A_15] : memref<19660800xf32, #tpu.memory_space<hbm>> -> memref<3200xf32, #tpu.memory_space<hbm>>
        %dma_wait3A_55 = arith.constant 3200 : i32
        %dma_wait3A_56 = tpu.memref_slice %arg4[%dma_wait3A_55] : memref<19200xf32, #tpu.memory_space<vmem>> -> memref<3200xf32, #tpu.memory_space<vmem>>
        %dma_wait3A_57 = tpu.memref_slice %arg2[%add3A_15] : memref<19660800xf32, #tpu.memory_space<hbm>> -> memref<3200xf32, #tpu.memory_space<hbm>>
        tpu.wait_dma2 semaphore(%run_scoped3A : memref<!tpu.dma_semaphore, #tpu.memory_space<semaphore_mem>>) src(%dma_wait3A_57 : memref<3200xf32, #tpu.memory_space<hbm>>) dst(%dma_wait3A_56 : memref<3200xf32, #tpu.memory_space<vmem>>)
        tpu.yield
      }) : () -> ()
      %add3A_16 = arith.constant 6553600 : i32
      %add3A_17 = arith.addi %add3A_16, %add3A_11 : i32
      "tpu.region"() ({
        %run_scoped3A = tpu.sem_alloc : memref<!tpu.dma_semaphore, #tpu.memory_space<semaphore_mem>>
        %dma_start3A = arith.constant 6400 : i32
        %dma_start3A_48 = tpu.memref_slice %arg4[%dma_start3A] : memref<19200xf32, #tpu.memory_space<vmem>> -> memref<3200xf32, #tpu.memory_space<vmem>>
        %dma_start3A_49 = tpu.memref_slice %arg2[%add3A_17] : memref<19660800xf32, #tpu.memory_space<hbm>> -> memref<3200xf32, #tpu.memory_space<hbm>>
        %dma_start3A_50 = arith.constant 6400 : i32
        %dma_start3A_51 = tpu.memref_slice %arg4[%dma_start3A_50] : memref<19200xf32, #tpu.memory_space<vmem>> -> memref<3200xf32, #tpu.memory_space<vmem>>
        %dma_start3A_52 = tpu.memref_slice %arg2[%add3A_17] : memref<19660800xf32, #tpu.memory_space<hbm>> -> memref<3200xf32, #tpu.memory_space<hbm>>
        tpu.enqueue_dma source(%dma_start3A_52 : memref<3200xf32, #tpu.memory_space<hbm>>) target(%dma_start3A_51 : memref<3200xf32, #tpu.memory_space<vmem>>) target_semaphore(%run_scoped3A : memref<!tpu.dma_semaphore, #tpu.memory_space<semaphore_mem>>)
        %dma_wait3A = arith.constant 6400 : i32
        %dma_wait3A_53 = tpu.memref_slice %arg4[%dma_wait3A] : memref<19200xf32, #tpu.memory_space<vmem>> -> memref<3200xf32, #tpu.memory_space<vmem>>
        %dma_wait3A_54 = tpu.memref_slice %arg2[%add3A_17] : memref<19660800xf32, #tpu.memory_space<hbm>> -> memref<3200xf32, #tpu.memory_space<hbm>>
        %dma_wait3A_55 = arith.constant 6400 : i32
        %dma_wait3A_56 = tpu.memref_slice %arg4[%dma_wait3A_55] : memref<19200xf32, #tpu.memory_space<vmem>> -> memref<3200xf32, #tpu.memory_space<vmem>>
        %dma_wait3A_57 = tpu.memref_slice %arg2[%add3A_17] : memref<19660800xf32, #tpu.memory_space<hbm>> -> memref<3200xf32, #tpu.memory_space<hbm>>
        tpu.wait_dma2 semaphore(%run_scoped3A : memref<!tpu.dma_semaphore, #tpu.memory_space<semaphore_mem>>) src(%dma_wait3A_57 : memref<3200xf32, #tpu.memory_space<hbm>>) dst(%dma_wait3A_56 : memref<3200xf32, #tpu.memory_space<vmem>>)
        tpu.yield
      }) : () -> ()
      %add3A_18 = arith.constant 9830400 : i32
      %add3A_19 = arith.addi %add3A_18, %add3A_11 : i32
      "tpu.region"() ({
        %run_scoped3A = tpu.sem_alloc : memref<!tpu.dma_semaphore, #tpu.memory_space<semaphore_mem>>
        %dma_start3A = arith.constant 9600 : i32
        %dma_start3A_48 = tpu.memref_slice %arg4[%dma_start3A] : memref<19200xf32, #tpu.memory_space<vmem>> -> memref<3200xf32, #tpu.memory_space<vmem>>
        %dma_start3A_49 = tpu.memref_slice %arg2[%add3A_19] : memref<19660800xf32, #tpu.memory_space<hbm>> -> memref<3200xf32, #tpu.memory_space<hbm>>
        %dma_start3A_50 = arith.constant 9600 : i32
        %dma_start3A_51 = tpu.memref_slice %arg4[%dma_start3A_50] : memref<19200xf32, #tpu.memory_space<vmem>> -> memref<3200xf32, #tpu.memory_space<vmem>>
        %dma_start3A_52 = tpu.memref_slice %arg2[%add3A_19] : memref<19660800xf32, #tpu.memory_space<hbm>> -> memref<3200xf32, #tpu.memory_space<hbm>>
        tpu.enqueue_dma source(%dma_start3A_52 : memref<3200xf32, #tpu.memory_space<hbm>>) target(%dma_start3A_51 : memref<3200xf32, #tpu.memory_space<vmem>>) target_semaphore(%run_scoped3A : memref<!tpu.dma_semaphore, #tpu.memory_space<semaphore_mem>>)
        %dma_wait3A = arith.constant 9600 : i32
        %dma_wait3A_53 = tpu.memref_slice %arg4[%dma_wait3A] : memref<19200xf32, #tpu.memory_space<vmem>> -> memref<3200xf32, #tpu.memory_space<vmem>>
        %dma_wait3A_54 = tpu.memref_slice %arg2[%add3A_19] : memref<19660800xf32, #tpu.memory_space<hbm>> -> memref<3200xf32, #tpu.memory_space<hbm>>
        %dma_wait3A_55 = arith.constant 9600 : i32
        %dma_wait3A_56 = tpu.memref_slice %arg4[%dma_wait3A_55] : memref<19200xf32, #tpu.memory_space<vmem>> -> memref<3200xf32, #tpu.memory_space<vmem>>
        %dma_wait3A_57 = tpu.memref_slice %arg2[%add3A_19] : memref<19660800xf32, #tpu.memory_space<hbm>> -> memref<3200xf32, #tpu.memory_space<hbm>>
        tpu.wait_dma2 semaphore(%run_scoped3A : memref<!tpu.dma_semaphore, #tpu.memory_space<semaphore_mem>>) src(%dma_wait3A_57 : memref<3200xf32, #tpu.memory_space<hbm>>) dst(%dma_wait3A_56 : memref<3200xf32, #tpu.memory_space<vmem>>)
        tpu.yield
      }) : () -> ()
      %add3A_20 = arith.constant 13107200 : i32
      %add3A_21 = arith.addi %add3A_20, %add3A_11 : i32
      "tpu.region"() ({
        %run_scoped3A = tpu.sem_alloc : memref<!tpu.dma_semaphore, #tpu.memory_space<semaphore_mem>>
        %dma_start3A = arith.constant 12800 : i32
        %dma_start3A_48 = tpu.memref_slice %arg4[%dma_start3A] : memref<19200xf32, #tpu.memory_space<vmem>> -> memref<3200xf32, #tpu.memory_space<vmem>>
        %dma_start3A_49 = tpu.memref_slice %arg2[%add3A_21] : memref<19660800xf32, #tpu.memory_space<hbm>> -> memref<3200xf32, #tpu.memory_space<hbm>>
        %dma_start3A_50 = arith.constant 12800 : i32
        %dma_start3A_51 = tpu.memref_slice %arg4[%dma_start3A_50] : memref<19200xf32, #tpu.memory_space<vmem>> -> memref<3200xf32, #tpu.memory_space<vmem>>
        %dma_start3A_52 = tpu.memref_slice %arg2[%add3A_21] : memref<19660800xf32, #tpu.memory_space<hbm>> -> memref<3200xf32, #tpu.memory_space<hbm>>
        tpu.enqueue_dma source(%dma_start3A_52 : memref<3200xf32, #tpu.memory_space<hbm>>) target(%dma_start3A_51 : memref<3200xf32, #tpu.memory_space<vmem>>) target_semaphore(%run_scoped3A : memref<!tpu.dma_semaphore, #tpu.memory_space<semaphore_mem>>)
        %dma_wait3A = arith.constant 12800 : i32
        %dma_wait3A_53 = tpu.memref_slice %arg4[%dma_wait3A] : memref<19200xf32, #tpu.memory_space<vmem>> -> memref<3200xf32, #tpu.memory_space<vmem>>
        %dma_wait3A_54 = tpu.memref_slice %arg2[%add3A_21] : memref<19660800xf32, #tpu.memory_space<hbm>> -> memref<3200xf32, #tpu.memory_space<hbm>>
        %dma_wait3A_55 = arith.constant 12800 : i32
        %dma_wait3A_56 = tpu.memref_slice %arg4[%dma_wait3A_55] : memref<19200xf32, #tpu.memory_space<vmem>> -> memref<3200xf32, #tpu.memory_space<vmem>>
        %dma_wait3A_57 = tpu.memref_slice %arg2[%add3A_21] : memref<19660800xf32, #tpu.memory_space<hbm>> -> memref<3200xf32, #tpu.memory_space<hbm>>
        tpu.wait_dma2 semaphore(%run_scoped3A : memref<!tpu.dma_semaphore, #tpu.memory_space<semaphore_mem>>) src(%dma_wait3A_57 : memref<3200xf32, #tpu.memory_space<hbm>>) dst(%dma_wait3A_56 : memref<3200xf32, #tpu.memory_space<vmem>>)
        tpu.yield
      }) : () -> ()
      %add3A_22 = arith.constant 16384000 : i32
      %add3A_23 = arith.addi %add3A_22, %add3A_11 : i32
      "tpu.region"() ({
        %run_scoped3A = tpu.sem_alloc : memref<!tpu.dma_semaphore, #tpu.memory_space<semaphore_mem>>
        %dma_start3A = arith.constant 16000 : i32
        %dma_start3A_48 = tpu.memref_slice %arg4[%dma_start3A] : memref<19200xf32, #tpu.memory_space<vmem>> -> memref<3200xf32, #tpu.memory_space<vmem>>
        %dma_start3A_49 = tpu.memref_slice %arg2[%add3A_23] : memref<19660800xf32, #tpu.memory_space<hbm>> -> memref<3200xf32, #tpu.memory_space<hbm>>
        %dma_start3A_50 = arith.constant 16000 : i32
        %dma_start3A_51 = tpu.memref_slice %arg4[%dma_start3A_50] : memref<19200xf32, #tpu.memory_space<vmem>> -> memref<3200xf32, #tpu.memory_space<vmem>>
        %dma_start3A_52 = tpu.memref_slice %arg2[%add3A_23] : memref<19660800xf32, #tpu.memory_space<hbm>> -> memref<3200xf32, #tpu.memory_space<hbm>>
        tpu.enqueue_dma source(%dma_start3A_52 : memref<3200xf32, #tpu.memory_space<hbm>>) target(%dma_start3A_51 : memref<3200xf32, #tpu.memory_space<vmem>>) target_semaphore(%run_scoped3A : memref<!tpu.dma_semaphore, #tpu.memory_space<semaphore_mem>>)
        %dma_wait3A = arith.constant 16000 : i32
        %dma_wait3A_53 = tpu.memref_slice %arg4[%dma_wait3A] : memref<19200xf32, #tpu.memory_space<vmem>> -> memref<3200xf32, #tpu.memory_space<vmem>>
        %dma_wait3A_54 = tpu.memref_slice %arg2[%add3A_23] : memref<19660800xf32, #tpu.memory_space<hbm>> -> memref<3200xf32, #tpu.memory_space<hbm>>
        %dma_wait3A_55 = arith.constant 16000 : i32
        %dma_wait3A_56 = tpu.memref_slice %arg4[%dma_wait3A_55] : memref<19200xf32, #tpu.memory_space<vmem>> -> memref<3200xf32, #tpu.memory_space<vmem>>
        %dma_wait3A_57 = tpu.memref_slice %arg2[%add3A_23] : memref<19660800xf32, #tpu.memory_space<hbm>> -> memref<3200xf32, #tpu.memory_space<hbm>>
        tpu.wait_dma2 semaphore(%run_scoped3A : memref<!tpu.dma_semaphore, #tpu.memory_space<semaphore_mem>>) src(%dma_wait3A_57 : memref<3200xf32, #tpu.memory_space<hbm>>) dst(%dma_wait3A_56 : memref<3200xf32, #tpu.memory_space<vmem>>)
        tpu.yield
      }) : () -> ()
      %parallel_loop3A = arith.constant 0 : i32
      %parallel_loop3A_24 = arith.constant 200 : i32
      %parallel_loop3A_25 = arith.constant 1 : i32
      scf.for %parallel_loop3A_48 = %parallel_loop3A to %parallel_loop3A_24 step %parallel_loop3A_25  : i32 {
        %parallel_loop3A_49 = arith.constant 16 : i32
        %parallel_loop3A_50 = arith.muli %parallel_loop3A_48, %parallel_loop3A_49 : i32
        %parallel_loop3A_51 = arith.constant 0 : i32
        %parallel_loop3A_52 = arith.addi %parallel_loop3A_51, %parallel_loop3A_50 : i32
        %parallel_loop3A_53 = arith.index_cast %parallel_loop3A_52 : i32 to index
        %parallel_loop3A_54 = tpu.vector_load %arg4[%parallel_loop3A_53] {strides = array<i32>} : memref<19200xf32, #tpu.memory_space<vmem>>, vector<16xf32>,
        %parallel_loop3A_55 = arith.constant 3200 : i32
        %parallel_loop3A_56 = arith.addi %parallel_loop3A_55, %parallel_loop3A_50 : i32
        %parallel_loop3A_57 = arith.index_cast %parallel_loop3A_56 : i32 to index
        %parallel_loop3A_58 = tpu.vector_load %arg4[%parallel_loop3A_57] {strides = array<i32>} : memref<19200xf32, #tpu.memory_space<vmem>>, vector<16xf32>,
        %parallel_loop3A_59 = arith.constant 6400 : i32
        %parallel_loop3A_60 = arith.addi %parallel_loop3A_59, %parallel_loop3A_50 : i32
        %parallel_loop3A_61 = arith.index_cast %parallel_loop3A_60 : i32 to index
        %parallel_loop3A_62 = tpu.vector_load %arg4[%parallel_loop3A_61] {strides = array<i32>} : memref<19200xf32, #tpu.memory_space<vmem>>, vector<16xf32>,
        %parallel_loop3A_63 = arith.constant 9600 : i32
        %parallel_loop3A_64 = arith.addi %parallel_loop3A_63, %parallel_loop3A_50 : i32
        %parallel_loop3A_65 = arith.index_cast %parallel_loop3A_64 : i32 to index
        %parallel_loop3A_66 = tpu.vector_load %arg4[%parallel_loop3A_65] {strides = array<i32>} : memref<19200xf32, #tpu.memory_space<vmem>>, vector<16xf32>,
        %parallel_loop3A_67 = arith.constant 12800 : i32
        %parallel_loop3A_68 = arith.addi %parallel_loop3A_67, %parallel_loop3A_50 : i32
        %parallel_loop3A_69 = arith.index_cast %parallel_loop3A_68 : i32 to index
        %parallel_loop3A_70 = tpu.vector_load %arg4[%parallel_loop3A_69] {strides = array<i32>} : memref<19200xf32, #tpu.memory_space<vmem>>, vector<16xf32>,
        %parallel_loop3A_71 = arith.constant 16000 : i32
        %parallel_loop3A_72 = arith.addi %parallel_loop3A_71, %parallel_loop3A_50 : i32
        %parallel_loop3A_73 = arith.index_cast %parallel_loop3A_72 : i32 to index
        %parallel_loop3A_74 = tpu.vector_load %arg4[%parallel_loop3A_73] {strides = array<i32>} : memref<19200xf32, #tpu.memory_space<vmem>>, vector<16xf32>,
        %parallel_loop3A_75 = arith.fptosi %parallel_loop3A_74 : vector<16xf32> to vector<16xi32>
        %parallel_loop3A_76 = arith.constant 3 : i32
        %parallel_loop3A_77 = vector.broadcast %parallel_loop3A_76 : i32 to vector<16xi32>
        %parallel_loop3A_78 = arith.divsi %parallel_loop3A_75, %parallel_loop3A_77 : vector<16xi32>
        %parallel_loop3A_79 = arith.constant 0 : i32
        %parallel_loop3A_80 = vector.broadcast %parallel_loop3A_79 : i32 to vector<16xi32>
        %parallel_loop3A_81 = arith.cmpi sgt, %parallel_loop3A_75, %parallel_loop3A_80 : vector<16xi32>
        %parallel_loop3A_82 = arith.extui %parallel_loop3A_81 : vector<16xi1> to vector<16xi32>
        %parallel_loop3A_83 = arith.constant 0 : i32
        %parallel_loop3A_84 = vector.broadcast %parallel_loop3A_83 : i32 to vector<16xi32>
        %parallel_loop3A_85 = arith.cmpi slt, %parallel_loop3A_75, %parallel_loop3A_84 : vector<16xi32>
        %parallel_loop3A_86 = arith.extui %parallel_loop3A_85 : vector<16xi1> to vector<16xi32>
        %parallel_loop3A_87 = arith.subi %parallel_loop3A_82, %parallel_loop3A_86 : vector<16xi32>
        %parallel_loop3A_88 = arith.constant 0 : i32
        %parallel_loop3A_89 = arith.cmpi sgt, %parallel_loop3A_76, %parallel_loop3A_88 : i32
        %parallel_loop3A_90 = arith.extui %parallel_loop3A_89 : i1 to i32
        %parallel_loop3A_91 = arith.constant 0 : i32
        %parallel_loop3A_92 = arith.cmpi slt, %parallel_loop3A_76, %parallel_loop3A_91 : i32
        %parallel_loop3A_93 = arith.extui %parallel_loop3A_92 : i1 to i32
        %parallel_loop3A_94 = arith.subi %parallel_loop3A_90, %parallel_loop3A_93 : i32
        %parallel_loop3A_95 = vector.broadcast %parallel_loop3A_94 : i32 to vector<16xi32>
        %parallel_loop3A_96 = arith.cmpi ne, %parallel_loop3A_87, %parallel_loop3A_95 : vector<16xi32>
        %parallel_loop3A_97 = vector.broadcast %parallel_loop3A_76 : i32 to vector<16xi32>
        %parallel_loop3A_98 = arith.remsi %parallel_loop3A_75, %parallel_loop3A_97 : vector<16xi32>
        %parallel_loop3A_99 = arith.constant 0 : i32
        %parallel_loop3A_100 = vector.broadcast %parallel_loop3A_99 : i32 to vector<16xi32>
        %parallel_loop3A_101 = arith.cmpi ne, %parallel_loop3A_98, %parallel_loop3A_100 : vector<16xi32>
        %parallel_loop3A_102 = arith.andi %parallel_loop3A_96, %parallel_loop3A_101 : vector<16xi1>
        %parallel_loop3A_103 = arith.constant 1 : i32
        %parallel_loop3A_104 = vector.broadcast %parallel_loop3A_103 : i32 to vector<16xi32>
        %parallel_loop3A_105 = arith.subi %parallel_loop3A_78, %parallel_loop3A_104 : vector<16xi32>
        %parallel_loop3A_106 = arith.select %parallel_loop3A_102, %parallel_loop3A_105, %parallel_loop3A_78 : vector<16xi1>, vector<16xi32>
        %parallel_loop3A_107 = arith.constant 3 : i32
        %parallel_loop3A_108 = arith.constant 0 : i32
        %parallel_loop3A_109 = arith.cmpi eq, %parallel_loop3A_107, %parallel_loop3A_108 : i32
        %parallel_loop3A_110 = arith.constant 1 : i32
        %parallel_loop3A_111 = arith.select %parallel_loop3A_109, %parallel_loop3A_110, %parallel_loop3A_107 : i32
        %parallel_loop3A_112 = vector.broadcast %parallel_loop3A_111 : i32 to vector<16xi32>
        %parallel_loop3A_113 = arith.remsi %parallel_loop3A_75, %parallel_loop3A_112 : vector<16xi32>
        %parallel_loop3A_114 = arith.constant 0 : i32
        %parallel_loop3A_115 = vector.broadcast %parallel_loop3A_114 : i32 to vector<16xi32>
        %parallel_loop3A_116 = arith.cmpi ne, %parallel_loop3A_113, %parallel_loop3A_115 : vector<16xi32>
        %parallel_loop3A_117 = arith.constant 0 : i32
        %parallel_loop3A_118 = vector.broadcast %parallel_loop3A_117 : i32 to vector<16xi32>
        %parallel_loop3A_119 = arith.cmpi slt, %parallel_loop3A_113, %parallel_loop3A_118 : vector<16xi32>
        %parallel_loop3A_120 = arith.constant 0 : i32
        %parallel_loop3A_121 = arith.cmpi slt, %parallel_loop3A_111, %parallel_loop3A_120 : i32
        %parallel_loop3A_122 = vector.broadcast %parallel_loop3A_121 : i1 to vector<16xi1>
        %parallel_loop3A_123 = vector.broadcast %parallel_loop3A_122 : vector<16xi1> to vector<16xi1>
        %parallel_loop3A_124 = arith.xori %parallel_loop3A_119, %parallel_loop3A_123 : vector<16xi1>
        %parallel_loop3A_125 = arith.andi %parallel_loop3A_124, %parallel_loop3A_116 : vector<16xi1>
        %parallel_loop3A_126 = vector.broadcast %parallel_loop3A_111 : i32 to vector<16xi32>
        %parallel_loop3A_127 = arith.addi %parallel_loop3A_113, %parallel_loop3A_126 : vector<16xi32>
        %parallel_loop3A_128 = arith.select %parallel_loop3A_125, %parallel_loop3A_127, %parallel_loop3A_113 : vector<16xi1>, vector<16xi32>
        %parallel_loop3A_129 = arith.constant 0.000000e+00 : f32
        %parallel_loop3A_130 = vector.broadcast %parallel_loop3A_129 : f32 to vector<16xf32>
        %parallel_loop3A_131 = arith.constant 7.812500e-03 : f32
        %parallel_loop3A_132 = vector.broadcast %parallel_loop3A_131 : f32 to vector<16xf32>
        %parallel_loop3A_133 = arith.mulf %parallel_loop3A_54, %parallel_loop3A_132 : vector<16xf32>
        %parallel_loop3A_134 = arith.constant 0 : i32
        %parallel_loop3A_135 = arith.addi %parallel_loop3A_134, %parallel_loop3A_50 : i32
        %parallel_loop3A_136 = arith.index_cast %parallel_loop3A_135 : i32 to index
        %parallel_loop3A_137 = tpu.vector_load %arg5[%parallel_loop3A_136] {strides = array<i32>} : memref<35200xf32, #tpu.memory_space<vmem>>, vector<16xf32>,
        tpu.vector_store %arg5[%parallel_loop3A_136], %parallel_loop3A_133 {strides = array<i32>} : memref<35200xf32, #tpu.memory_space<vmem>>, vector<16xf32>,
        %parallel_loop3A_138 = arith.constant 7.812500e-03 : f32
        %parallel_loop3A_139 = vector.broadcast %parallel_loop3A_138 : f32 to vector<16xf32>
        %parallel_loop3A_140 = arith.mulf %parallel_loop3A_58, %parallel_loop3A_139 : vector<16xf32>
        %parallel_loop3A_141 = arith.constant 3200 : i32
        %parallel_loop3A_142 = arith.addi %parallel_loop3A_141, %parallel_loop3A_50 : i32
        %parallel_loop3A_143 = arith.index_cast %parallel_loop3A_142 : i32 to index
        %parallel_loop3A_144 = tpu.vector_load %arg5[%parallel_loop3A_143] {strides = array<i32>} : memref<35200xf32, #tpu.memory_space<vmem>>, vector<16xf32>,
        tpu.vector_store %arg5[%parallel_loop3A_143], %parallel_loop3A_140 {strides = array<i32>} : memref<35200xf32, #tpu.memory_space<vmem>>, vector<16xf32>,
        %parallel_loop3A_145 = arith.constant 7.812500e-03 : f32
        %parallel_loop3A_146 = vector.broadcast %parallel_loop3A_145 : f32 to vector<16xf32>
        %parallel_loop3A_147 = arith.mulf %parallel_loop3A_62, %parallel_loop3A_146 : vector<16xf32>
        %parallel_loop3A_148 = arith.constant 6400 : i32
        %parallel_loop3A_149 = arith.addi %parallel_loop3A_148, %parallel_loop3A_50 : i32
        %parallel_loop3A_150 = arith.index_cast %parallel_loop3A_149 : i32 to index
        %parallel_loop3A_151 = tpu.vector_load %arg5[%parallel_loop3A_150] {strides = array<i32>} : memref<35200xf32, #tpu.memory_space<vmem>>, vector<16xf32>,
        tpu.vector_store %arg5[%parallel_loop3A_150], %parallel_loop3A_147 {strides = array<i32>} : memref<35200xf32, #tpu.memory_space<vmem>>, vector<16xf32>,
        %parallel_loop3A_152 = arith.constant 7.812500e-03 : f32
        %parallel_loop3A_153 = vector.broadcast %parallel_loop3A_152 : f32 to vector<16xf32>
        %parallel_loop3A_154 = arith.mulf %parallel_loop3A_66, %parallel_loop3A_153 : vector<16xf32>
        %parallel_loop3A_155 = arith.constant 9600 : i32
        %parallel_loop3A_156 = arith.addi %parallel_loop3A_155, %parallel_loop3A_50 : i32
        %parallel_loop3A_157 = arith.index_cast %parallel_loop3A_156 : i32 to index
        %parallel_loop3A_158 = tpu.vector_load %arg5[%parallel_loop3A_157] {strides = array<i32>} : memref<35200xf32, #tpu.memory_space<vmem>>, vector<16xf32>,
        tpu.vector_store %arg5[%parallel_loop3A_157], %parallel_loop3A_154 {strides = array<i32>} : memref<35200xf32, #tpu.memory_space<vmem>>, vector<16xf32>,
        %parallel_loop3A_159 = arith.constant 0 : i32
        %parallel_loop3A_160 = vector.broadcast %parallel_loop3A_159 : i32 to vector<16xi32>
        %parallel_loop3A_161 = arith.cmpi eq, %parallel_loop3A_106, %parallel_loop3A_160 : vector<16xi32>
        %parallel_loop3A_162 = arith.select %parallel_loop3A_161, %parallel_loop3A_70, %parallel_loop3A_130 : vector<16xi1>, vector<16xf32>
        %parallel_loop3A_163 = arith.constant 12800 : i32
        %parallel_loop3A_164 = arith.addi %parallel_loop3A_163, %parallel_loop3A_50 : i32
        %parallel_loop3A_165 = arith.index_cast %parallel_loop3A_164 : i32 to index
        %parallel_loop3A_166 = tpu.vector_load %arg5[%parallel_loop3A_165] {strides = array<i32>} : memref<35200xf32, #tpu.memory_space<vmem>>, vector<16xf32>,
        tpu.vector_store %arg5[%parallel_loop3A_165], %parallel_loop3A_162 {strides = array<i32>} : memref<35200xf32, #tpu.memory_space<vmem>>, vector<16xf32>,
        %parallel_loop3A_167 = arith.constant 1 : i32
        %parallel_loop3A_168 = vector.broadcast %parallel_loop3A_167 : i32 to vector<16xi32>
        %parallel_loop3A_169 = arith.cmpi eq, %parallel_loop3A_106, %parallel_loop3A_168 : vector<16xi32>
        %parallel_loop3A_170 = arith.select %parallel_loop3A_169, %parallel_loop3A_70, %parallel_loop3A_130 : vector<16xi1>, vector<16xf32>
        %parallel_loop3A_171 = arith.constant 16000 : i32
        %parallel_loop3A_172 = arith.addi %parallel_loop3A_171, %parallel_loop3A_50 : i32
        %parallel_loop3A_173 = arith.index_cast %parallel_loop3A_172 : i32 to index
        %parallel_loop3A_174 = tpu.vector_load %arg5[%parallel_loop3A_173] {strides = array<i32>} : memref<35200xf32, #tpu.memory_space<vmem>>, vector<16xf32>,
        tpu.vector_store %arg5[%parallel_loop3A_173], %parallel_loop3A_170 {strides = array<i32>} : memref<35200xf32, #tpu.memory_space<vmem>>, vector<16xf32>,
        %parallel_loop3A_175 = arith.constant 2 : i32
        %parallel_loop3A_176 = vector.broadcast %parallel_loop3A_175 : i32 to vector<16xi32>
        %parallel_loop3A_177 = arith.cmpi eq, %parallel_loop3A_106, %parallel_loop3A_176 : vector<16xi32>
        %parallel_loop3A_178 = arith.select %parallel_loop3A_177, %parallel_loop3A_70, %parallel_loop3A_130 : vector<16xi1>, vector<16xf32>
        %parallel_loop3A_179 = arith.constant 19200 : i32
        %parallel_loop3A_180 = arith.addi %parallel_loop3A_179, %parallel_loop3A_50 : i32
        %parallel_loop3A_181 = arith.index_cast %parallel_loop3A_180 : i32 to index
        %parallel_loop3A_182 = tpu.vector_load %arg5[%parallel_loop3A_181] {strides = array<i32>} : memref<35200xf32, #tpu.memory_space<vmem>>, vector<16xf32>,
        tpu.vector_store %arg5[%parallel_loop3A_181], %parallel_loop3A_178 {strides = array<i32>} : memref<35200xf32, #tpu.memory_space<vmem>>, vector<16xf32>,
        %parallel_loop3A_183 = arith.constant 0 : i32
        %parallel_loop3A_184 = vector.broadcast %parallel_loop3A_183 : i32 to vector<16xi32>
        %parallel_loop3A_185 = arith.cmpi eq, %parallel_loop3A_128, %parallel_loop3A_184 : vector<16xi32>
        %parallel_loop3A_186 = arith.select %parallel_loop3A_185, %parallel_loop3A_70, %parallel_loop3A_130 : vector<16xi1>, vector<16xf32>
        %parallel_loop3A_187 = arith.constant 22400 : i32
        %parallel_loop3A_188 = arith.addi %parallel_loop3A_187, %parallel_loop3A_50 : i32
        %parallel_loop3A_189 = arith.index_cast %parallel_loop3A_188 : i32 to index
        %parallel_loop3A_190 = tpu.vector_load %arg5[%parallel_loop3A_189] {strides = array<i32>} : memref<35200xf32, #tpu.memory_space<vmem>>, vector<16xf32>,
        tpu.vector_store %arg5[%parallel_loop3A_189], %parallel_loop3A_186 {strides = array<i32>} : memref<35200xf32, #tpu.memory_space<vmem>>, vector<16xf32>,
        %parallel_loop3A_191 = arith.constant 1 : i32
        %parallel_loop3A_192 = vector.broadcast %parallel_loop3A_191 : i32 to vector<16xi32>
        %parallel_loop3A_193 = arith.cmpi eq, %parallel_loop3A_128, %parallel_loop3A_192 : vector<16xi32>
        %parallel_loop3A_194 = arith.select %parallel_loop3A_193, %parallel_loop3A_70, %parallel_loop3A_130 : vector<16xi1>, vector<16xf32>
        %parallel_loop3A_195 = arith.constant 25600 : i32
        %parallel_loop3A_196 = arith.addi %parallel_loop3A_195, %parallel_loop3A_50 : i32
        %parallel_loop3A_197 = arith.index_cast %parallel_loop3A_196 : i32 to index
        %parallel_loop3A_198 = tpu.vector_load %arg5[%parallel_loop3A_197] {strides = array<i32>} : memref<35200xf32, #tpu.memory_space<vmem>>, vector<16xf32>,
        tpu.vector_store %arg5[%parallel_loop3A_197], %parallel_loop3A_194 {strides = array<i32>} : memref<35200xf32, #tpu.memory_space<vmem>>, vector<16xf32>,
        %parallel_loop3A_199 = arith.constant 2 : i32
        %parallel_loop3A_200 = vector.broadcast %parallel_loop3A_199 : i32 to vector<16xi32>
        %parallel_loop3A_201 = arith.cmpi eq, %parallel_loop3A_128, %parallel_loop3A_200 : vector<16xi32>
        %parallel_loop3A_202 = arith.select %parallel_loop3A_201, %parallel_loop3A_70, %parallel_loop3A_130 : vector<16xi1>, vector<16xf32>
        %parallel_loop3A_203 = arith.constant 28800 : i32
        %parallel_loop3A_204 = arith.addi %parallel_loop3A_203, %parallel_loop3A_50 : i32
        %parallel_loop3A_205 = arith.index_cast %parallel_loop3A_204 : i32 to index
        %parallel_loop3A_206 = tpu.vector_load %arg5[%parallel_loop3A_205] {strides = array<i32>} : memref<35200xf32, #tpu.memory_space<vmem>>, vector<16xf32>,
        tpu.vector_store %arg5[%parallel_loop3A_205], %parallel_loop3A_202 {strides = array<i32>} : memref<35200xf32, #tpu.memory_space<vmem>>, vector<16xf32>,
        %parallel_loop3A_207 = arith.constant 32000 : i32
        %parallel_loop3A_208 = arith.addi %parallel_loop3A_207, %parallel_loop3A_50 : i32
        %parallel_loop3A_209 = arith.index_cast %parallel_loop3A_208 : i32 to index
        %parallel_loop3A_210 = tpu.vector_load %arg5[%parallel_loop3A_209] {strides = array<i32>} : memref<35200xf32, #tpu.memory_space<vmem>>, vector<16xf32>,
        tpu.vector_store %arg5[%parallel_loop3A_209], %parallel_loop3A_70 {strides = array<i32>} : memref<35200xf32, #tpu.memory_space<vmem>>, vector<16xf32>,
      } {sc.loop_unroll_factor = 8 : i64, sc.parallel_access}
      %add3A_26 = arith.constant 0 : i32
      %add3A_27 = arith.addi %add3A_26, %add3A_11 : i32
      "tpu.region"() ({
        %run_scoped3A = tpu.sem_alloc : memref<!tpu.dma_semaphore, #tpu.memory_space<semaphore_mem>>
        %dma_start3A = arith.constant 0 : i32
        %dma_start3A_48 = tpu.memref_slice %arg5[%dma_start3A] : memref<35200xf32, #tpu.memory_space<vmem>> -> memref<3200xf32, #tpu.memory_space<vmem>>
        %dma_start3A_49 = tpu.memref_slice %arg3[%add3A_27] : memref<36044800xf32, #tpu.memory_space<hbm>> -> memref<3200xf32, #tpu.memory_space<hbm>>
        %dma_start3A_50 = tpu.memref_slice %arg3[%add3A_27] : memref<36044800xf32, #tpu.memory_space<hbm>> -> memref<3200xf32, #tpu.memory_space<hbm>>
        %dma_start3A_51 = arith.constant 0 : i32
        %dma_start3A_52 = tpu.memref_slice %arg5[%dma_start3A_51] : memref<35200xf32, #tpu.memory_space<vmem>> -> memref<3200xf32, #tpu.memory_space<vmem>>
        tpu.enqueue_dma source(%dma_start3A_52 : memref<3200xf32, #tpu.memory_space<vmem>>) target(%dma_start3A_50 : memref<3200xf32, #tpu.memory_space<hbm>>) target_semaphore(%run_scoped3A : memref<!tpu.dma_semaphore, #tpu.memory_space<semaphore_mem>>)
        %dma_wait3A = arith.constant 0 : i32
        %dma_wait3A_53 = tpu.memref_slice %arg5[%dma_wait3A] : memref<35200xf32, #tpu.memory_space<vmem>> -> memref<3200xf32, #tpu.memory_space<vmem>>
        %dma_wait3A_54 = tpu.memref_slice %arg3[%add3A_27] : memref<36044800xf32, #tpu.memory_space<hbm>> -> memref<3200xf32, #tpu.memory_space<hbm>>
        %dma_wait3A_55 = tpu.memref_slice %arg3[%add3A_27] : memref<36044800xf32, #tpu.memory_space<hbm>> -> memref<3200xf32, #tpu.memory_space<hbm>>
        %dma_wait3A_56 = arith.constant 0 : i32
        %dma_wait3A_57 = tpu.memref_slice %arg5[%dma_wait3A_56] : memref<35200xf32, #tpu.memory_space<vmem>> -> memref<3200xf32, #tpu.memory_space<vmem>>
        tpu.wait_dma2 semaphore(%run_scoped3A : memref<!tpu.dma_semaphore, #tpu.memory_space<semaphore_mem>>) src(%dma_wait3A_57 : memref<3200xf32, #tpu.memory_space<vmem>>) dst(%dma_wait3A_55 : memref<3200xf32, #tpu.memory_space<hbm>>)
        tpu.yield
      }) : () -> ()
      %add3A_28 = arith.constant 3276800 : i32
      %add3A_29 = arith.addi %add3A_28, %add3A_11 : i32
      "tpu.region"() ({
        %run_scoped3A = tpu.sem_alloc : memref<!tpu.dma_semaphore, #tpu.memory_space<semaphore_mem>>
        %dma_start3A = arith.constant 3200 : i32
        %dma_start3A_48 = tpu.memref_slice %arg5[%dma_start3A] : memref<35200xf32, #tpu.memory_space<vmem>> -> memref<3200xf32, #tpu.memory_space<vmem>>
        %dma_start3A_49 = tpu.memref_slice %arg3[%add3A_29] : memref<36044800xf32, #tpu.memory_space<hbm>> -> memref<3200xf32, #tpu.memory_space<hbm>>
        %dma_start3A_50 = tpu.memref_slice %arg3[%add3A_29] : memref<36044800xf32, #tpu.memory_space<hbm>> -> memref<3200xf32, #tpu.memory_space<hbm>>
        %dma_start3A_51 = arith.constant 3200 : i32
        %dma_start3A_52 = tpu.memref_slice %arg5[%dma_start3A_51] : memref<35200xf32, #tpu.memory_space<vmem>> -> memref<3200xf32, #tpu.memory_space<vmem>>
        tpu.enqueue_dma source(%dma_start3A_52 : memref<3200xf32, #tpu.memory_space<vmem>>) target(%dma_start3A_50 : memref<3200xf32, #tpu.memory_space<hbm>>) target_semaphore(%run_scoped3A : memref<!tpu.dma_semaphore, #tpu.memory_space<semaphore_mem>>)
        %dma_wait3A = arith.constant 3200 : i32
        %dma_wait3A_53 = tpu.memref_slice %arg5[%dma_wait3A] : memref<35200xf32, #tpu.memory_space<vmem>> -> memref<3200xf32, #tpu.memory_space<vmem>>
        %dma_wait3A_54 = tpu.memref_slice %arg3[%add3A_29] : memref<36044800xf32, #tpu.memory_space<hbm>> -> memref<3200xf32, #tpu.memory_space<hbm>>
        %dma_wait3A_55 = tpu.memref_slice %arg3[%add3A_29] : memref<36044800xf32, #tpu.memory_space<hbm>> -> memref<3200xf32, #tpu.memory_space<hbm>>
        %dma_wait3A_56 = arith.constant 3200 : i32
        %dma_wait3A_57 = tpu.memref_slice %arg5[%dma_wait3A_56] : memref<35200xf32, #tpu.memory_space<vmem>> -> memref<3200xf32, #tpu.memory_space<vmem>>
        tpu.wait_dma2 semaphore(%run_scoped3A : memref<!tpu.dma_semaphore, #tpu.memory_space<semaphore_mem>>) src(%dma_wait3A_57 : memref<3200xf32, #tpu.memory_space<vmem>>) dst(%dma_wait3A_55 : memref<3200xf32, #tpu.memory_space<hbm>>)
        tpu.yield
      }) : () -> ()
      %add3A_30 = arith.constant 6553600 : i32
      %add3A_31 = arith.addi %add3A_30, %add3A_11 : i32
      "tpu.region"() ({
        %run_scoped3A = tpu.sem_alloc : memref<!tpu.dma_semaphore, #tpu.memory_space<semaphore_mem>>
        %dma_start3A = arith.constant 6400 : i32
        %dma_start3A_48 = tpu.memref_slice %arg5[%dma_start3A] : memref<35200xf32, #tpu.memory_space<vmem>> -> memref<3200xf32, #tpu.memory_space<vmem>>
        %dma_start3A_49 = tpu.memref_slice %arg3[%add3A_31] : memref<36044800xf32, #tpu.memory_space<hbm>> -> memref<3200xf32, #tpu.memory_space<hbm>>
        %dma_start3A_50 = tpu.memref_slice %arg3[%add3A_31] : memref<36044800xf32, #tpu.memory_space<hbm>> -> memref<3200xf32, #tpu.memory_space<hbm>>
        %dma_start3A_51 = arith.constant 6400 : i32
        %dma_start3A_52 = tpu.memref_slice %arg5[%dma_start3A_51] : memref<35200xf32, #tpu.memory_space<vmem>> -> memref<3200xf32, #tpu.memory_space<vmem>>
        tpu.enqueue_dma source(%dma_start3A_52 : memref<3200xf32, #tpu.memory_space<vmem>>) target(%dma_start3A_50 : memref<3200xf32, #tpu.memory_space<hbm>>) target_semaphore(%run_scoped3A : memref<!tpu.dma_semaphore, #tpu.memory_space<semaphore_mem>>)
        %dma_wait3A = arith.constant 6400 : i32
        %dma_wait3A_53 = tpu.memref_slice %arg5[%dma_wait3A] : memref<35200xf32, #tpu.memory_space<vmem>> -> memref<3200xf32, #tpu.memory_space<vmem>>
        %dma_wait3A_54 = tpu.memref_slice %arg3[%add3A_31] : memref<36044800xf32, #tpu.memory_space<hbm>> -> memref<3200xf32, #tpu.memory_space<hbm>>
        %dma_wait3A_55 = tpu.memref_slice %arg3[%add3A_31] : memref<36044800xf32, #tpu.memory_space<hbm>> -> memref<3200xf32, #tpu.memory_space<hbm>>
        %dma_wait3A_56 = arith.constant 6400 : i32
        %dma_wait3A_57 = tpu.memref_slice %arg5[%dma_wait3A_56] : memref<35200xf32, #tpu.memory_space<vmem>> -> memref<3200xf32, #tpu.memory_space<vmem>>
        tpu.wait_dma2 semaphore(%run_scoped3A : memref<!tpu.dma_semaphore, #tpu.memory_space<semaphore_mem>>) src(%dma_wait3A_57 : memref<3200xf32, #tpu.memory_space<vmem>>) dst(%dma_wait3A_55 : memref<3200xf32, #tpu.memory_space<hbm>>)
        tpu.yield
      }) : () -> ()
      %add3A_32 = arith.constant 9830400 : i32
      %add3A_33 = arith.addi %add3A_32, %add3A_11 : i32
      "tpu.region"() ({
        %run_scoped3A = tpu.sem_alloc : memref<!tpu.dma_semaphore, #tpu.memory_space<semaphore_mem>>
        %dma_start3A = arith.constant 9600 : i32
        %dma_start3A_48 = tpu.memref_slice %arg5[%dma_start3A] : memref<35200xf32, #tpu.memory_space<vmem>> -> memref<3200xf32, #tpu.memory_space<vmem>>
        %dma_start3A_49 = tpu.memref_slice %arg3[%add3A_33] : memref<36044800xf32, #tpu.memory_space<hbm>> -> memref<3200xf32, #tpu.memory_space<hbm>>
        %dma_start3A_50 = tpu.memref_slice %arg3[%add3A_33] : memref<36044800xf32, #tpu.memory_space<hbm>> -> memref<3200xf32, #tpu.memory_space<hbm>>
        %dma_start3A_51 = arith.constant 9600 : i32
        %dma_start3A_52 = tpu.memref_slice %arg5[%dma_start3A_51] : memref<35200xf32, #tpu.memory_space<vmem>> -> memref<3200xf32, #tpu.memory_space<vmem>>
        tpu.enqueue_dma source(%dma_start3A_52 : memref<3200xf32, #tpu.memory_space<vmem>>) target(%dma_start3A_50 : memref<3200xf32, #tpu.memory_space<hbm>>) target_semaphore(%run_scoped3A : memref<!tpu.dma_semaphore, #tpu.memory_space<semaphore_mem>>)
        %dma_wait3A = arith.constant 9600 : i32
        %dma_wait3A_53 = tpu.memref_slice %arg5[%dma_wait3A] : memref<35200xf32, #tpu.memory_space<vmem>> -> memref<3200xf32, #tpu.memory_space<vmem>>
        %dma_wait3A_54 = tpu.memref_slice %arg3[%add3A_33] : memref<36044800xf32, #tpu.memory_space<hbm>> -> memref<3200xf32, #tpu.memory_space<hbm>>
        %dma_wait3A_55 = tpu.memref_slice %arg3[%add3A_33] : memref<36044800xf32, #tpu.memory_space<hbm>> -> memref<3200xf32, #tpu.memory_space<hbm>>
        %dma_wait3A_56 = arith.constant 9600 : i32
        %dma_wait3A_57 = tpu.memref_slice %arg5[%dma_wait3A_56] : memref<35200xf32, #tpu.memory_space<vmem>> -> memref<3200xf32, #tpu.memory_space<vmem>>
        tpu.wait_dma2 semaphore(%run_scoped3A : memref<!tpu.dma_semaphore, #tpu.memory_space<semaphore_mem>>) src(%dma_wait3A_57 : memref<3200xf32, #tpu.memory_space<vmem>>) dst(%dma_wait3A_55 : memref<3200xf32, #tpu.memory_space<hbm>>)
        tpu.yield
      }) : () -> ()
      %add3A_34 = arith.constant 13107200 : i32
      %add3A_35 = arith.addi %add3A_34, %add3A_11 : i32
      "tpu.region"() ({
        %run_scoped3A = tpu.sem_alloc : memref<!tpu.dma_semaphore, #tpu.memory_space<semaphore_mem>>
        %dma_start3A = arith.constant 12800 : i32
        %dma_start3A_48 = tpu.memref_slice %arg5[%dma_start3A] : memref<35200xf32, #tpu.memory_space<vmem>> -> memref<3200xf32, #tpu.memory_space<vmem>>
        %dma_start3A_49 = tpu.memref_slice %arg3[%add3A_35] : memref<36044800xf32, #tpu.memory_space<hbm>> -> memref<3200xf32, #tpu.memory_space<hbm>>
        %dma_start3A_50 = tpu.memref_slice %arg3[%add3A_35] : memref<36044800xf32, #tpu.memory_space<hbm>> -> memref<3200xf32, #tpu.memory_space<hbm>>
        %dma_start3A_51 = arith.constant 12800 : i32
        %dma_start3A_52 = tpu.memref_slice %arg5[%dma_start3A_51] : memref<35200xf32, #tpu.memory_space<vmem>> -> memref<3200xf32, #tpu.memory_space<vmem>>
        tpu.enqueue_dma source(%dma_start3A_52 : memref<3200xf32, #tpu.memory_space<vmem>>) target(%dma_start3A_50 : memref<3200xf32, #tpu.memory_space<hbm>>) target_semaphore(%run_scoped3A : memref<!tpu.dma_semaphore, #tpu.memory_space<semaphore_mem>>)
        %dma_wait3A = arith.constant 12800 : i32
        %dma_wait3A_53 = tpu.memref_slice %arg5[%dma_wait3A] : memref<35200xf32, #tpu.memory_space<vmem>> -> memref<3200xf32, #tpu.memory_space<vmem>>
        %dma_wait3A_54 = tpu.memref_slice %arg3[%add3A_35] : memref<36044800xf32, #tpu.memory_space<hbm>> -> memref<3200xf32, #tpu.memory_space<hbm>>
        %dma_wait3A_55 = tpu.memref_slice %arg3[%add3A_35] : memref<36044800xf32, #tpu.memory_space<hbm>> -> memref<3200xf32, #tpu.memory_space<hbm>>
        %dma_wait3A_56 = arith.constant 12800 : i32
        %dma_wait3A_57 = tpu.memref_slice %arg5[%dma_wait3A_56] : memref<35200xf32, #tpu.memory_space<vmem>> -> memref<3200xf32, #tpu.memory_space<vmem>>
        tpu.wait_dma2 semaphore(%run_scoped3A : memref<!tpu.dma_semaphore, #tpu.memory_space<semaphore_mem>>) src(%dma_wait3A_57 : memref<3200xf32, #tpu.memory_space<vmem>>) dst(%dma_wait3A_55 : memref<3200xf32, #tpu.memory_space<hbm>>)
        tpu.yield
      }) : () -> ()
      %add3A_36 = arith.constant 16384000 : i32
      %add3A_37 = arith.addi %add3A_36, %add3A_11 : i32
      "tpu.region"() ({
        %run_scoped3A = tpu.sem_alloc : memref<!tpu.dma_semaphore, #tpu.memory_space<semaphore_mem>>
        %dma_start3A = arith.constant 16000 : i32
        %dma_start3A_48 = tpu.memref_slice %arg5[%dma_start3A] : memref<35200xf32, #tpu.memory_space<vmem>> -> memref<3200xf32, #tpu.memory_space<vmem>>
        %dma_start3A_49 = tpu.memref_slice %arg3[%add3A_37] : memref<36044800xf32, #tpu.memory_space<hbm>> -> memref<3200xf32, #tpu.memory_space<hbm>>
        %dma_start3A_50 = tpu.memref_slice %arg3[%add3A_37] : memref<36044800xf32, #tpu.memory_space<hbm>> -> memref<3200xf32, #tpu.memory_space<hbm>>
        %dma_start3A_51 = arith.constant 16000 : i32
        %dma_start3A_52 = tpu.memref_slice %arg5[%dma_start3A_51] : memref<35200xf32, #tpu.memory_space<vmem>> -> memref<3200xf32, #tpu.memory_space<vmem>>
        tpu.enqueue_dma source(%dma_start3A_52 : memref<3200xf32, #tpu.memory_space<vmem>>) target(%dma_start3A_50 : memref<3200xf32, #tpu.memory_space<hbm>>) target_semaphore(%run_scoped3A : memref<!tpu.dma_semaphore, #tpu.memory_space<semaphore_mem>>)
        %dma_wait3A = arith.constant 16000 : i32
        %dma_wait3A_53 = tpu.memref_slice %arg5[%dma_wait3A] : memref<35200xf32, #tpu.memory_space<vmem>> -> memref<3200xf32, #tpu.memory_space<vmem>>
        %dma_wait3A_54 = tpu.memref_slice %arg3[%add3A_37] : memref<36044800xf32, #tpu.memory_space<hbm>> -> memref<3200xf32, #tpu.memory_space<hbm>>
        %dma_wait3A_55 = tpu.memref_slice %arg3[%add3A_37] : memref<36044800xf32, #tpu.memory_space<hbm>> -> memref<3200xf32, #tpu.memory_space<hbm>>
        %dma_wait3A_56 = arith.constant 16000 : i32
        %dma_wait3A_57 = tpu.memref_slice %arg5[%dma_wait3A_56] : memref<35200xf32, #tpu.memory_space<vmem>> -> memref<3200xf32, #tpu.memory_space<vmem>>
        tpu.wait_dma2 semaphore(%run_scoped3A : memref<!tpu.dma_semaphore, #tpu.memory_space<semaphore_mem>>) src(%dma_wait3A_57 : memref<3200xf32, #tpu.memory_space<vmem>>) dst(%dma_wait3A_55 : memref<3200xf32, #tpu.memory_space<hbm>>)
        tpu.yield
      }) : () -> ()
      %add3A_38 = arith.constant 19660800 : i32
      %add3A_39 = arith.addi %add3A_38, %add3A_11 : i32
      "tpu.region"() ({
        %run_scoped3A = tpu.sem_alloc : memref<!tpu.dma_semaphore, #tpu.memory_space<semaphore_mem>>
        %dma_start3A = arith.constant 19200 : i32
        %dma_start3A_48 = tpu.memref_slice %arg5[%dma_start3A] : memref<35200xf32, #tpu.memory_space<vmem>> -> memref<3200xf32, #tpu.memory_space<vmem>>
        %dma_start3A_49 = tpu.memref_slice %arg3[%add3A_39] : memref<36044800xf32, #tpu.memory_space<hbm>> -> memref<3200xf32, #tpu.memory_space<hbm>>
        %dma_start3A_50 = tpu.memref_slice %arg3[%add3A_39] : memref<36044800xf32, #tpu.memory_space<hbm>> -> memref<3200xf32, #tpu.memory_space<hbm>>
        %dma_start3A_51 = arith.constant 19200 : i32
        %dma_start3A_52 = tpu.memref_slice %arg5[%dma_start3A_51] : memref<35200xf32, #tpu.memory_space<vmem>> -> memref<3200xf32, #tpu.memory_space<vmem>>
        tpu.enqueue_dma source(%dma_start3A_52 : memref<3200xf32, #tpu.memory_space<vmem>>) target(%dma_start3A_50 : memref<3200xf32, #tpu.memory_space<hbm>>) target_semaphore(%run_scoped3A : memref<!tpu.dma_semaphore, #tpu.memory_space<semaphore_mem>>)
        %dma_wait3A = arith.constant 19200 : i32
        %dma_wait3A_53 = tpu.memref_slice %arg5[%dma_wait3A] : memref<35200xf32, #tpu.memory_space<vmem>> -> memref<3200xf32, #tpu.memory_space<vmem>>
        %dma_wait3A_54 = tpu.memref_slice %arg3[%add3A_39] : memref<36044800xf32, #tpu.memory_space<hbm>> -> memref<3200xf32, #tpu.memory_space<hbm>>
        %dma_wait3A_55 = tpu.memref_slice %arg3[%add3A_39] : memref<36044800xf32, #tpu.memory_space<hbm>> -> memref<3200xf32, #tpu.memory_space<hbm>>
        %dma_wait3A_56 = arith.constant 19200 : i32
        %dma_wait3A_57 = tpu.memref_slice %arg5[%dma_wait3A_56] : memref<35200xf32, #tpu.memory_space<vmem>> -> memref<3200xf32, #tpu.memory_space<vmem>>
        tpu.wait_dma2 semaphore(%run_scoped3A : memref<!tpu.dma_semaphore, #tpu.memory_space<semaphore_mem>>) src(%dma_wait3A_57 : memref<3200xf32, #tpu.memory_space<vmem>>) dst(%dma_wait3A_55 : memref<3200xf32, #tpu.memory_space<hbm>>)
        tpu.yield
      }) : () -> ()
      %add3A_40 = arith.constant 22937600 : i32
      %add3A_41 = arith.addi %add3A_40, %add3A_11 : i32
      "tpu.region"() ({
        %run_scoped3A = tpu.sem_alloc : memref<!tpu.dma_semaphore, #tpu.memory_space<semaphore_mem>>
        %dma_start3A = arith.constant 22400 : i32
        %dma_start3A_48 = tpu.memref_slice %arg5[%dma_start3A] : memref<35200xf32, #tpu.memory_space<vmem>> -> memref<3200xf32, #tpu.memory_space<vmem>>
        %dma_start3A_49 = tpu.memref_slice %arg3[%add3A_41] : memref<36044800xf32, #tpu.memory_space<hbm>> -> memref<3200xf32, #tpu.memory_space<hbm>>
        %dma_start3A_50 = tpu.memref_slice %arg3[%add3A_41] : memref<36044800xf32, #tpu.memory_space<hbm>> -> memref<3200xf32, #tpu.memory_space<hbm>>
        %dma_start3A_51 = arith.constant 22400 : i32
        %dma_start3A_52 = tpu.memref_slice %arg5[%dma_start3A_51] : memref<35200xf32, #tpu.memory_space<vmem>> -> memref<3200xf32, #tpu.memory_space<vmem>>
        tpu.enqueue_dma source(%dma_start3A_52 : memref<3200xf32, #tpu.memory_space<vmem>>) target(%dma_start3A_50 : memref<3200xf32, #tpu.memory_space<hbm>>) target_semaphore(%run_scoped3A : memref<!tpu.dma_semaphore, #tpu.memory_space<semaphore_mem>>)
        %dma_wait3A = arith.constant 22400 : i32
        %dma_wait3A_53 = tpu.memref_slice %arg5[%dma_wait3A] : memref<35200xf32, #tpu.memory_space<vmem>> -> memref<3200xf32, #tpu.memory_space<vmem>>
        %dma_wait3A_54 = tpu.memref_slice %arg3[%add3A_41] : memref<36044800xf32, #tpu.memory_space<hbm>> -> memref<3200xf32, #tpu.memory_space<hbm>>
        %dma_wait3A_55 = tpu.memref_slice %arg3[%add3A_41] : memref<36044800xf32, #tpu.memory_space<hbm>> -> memref<3200xf32, #tpu.memory_space<hbm>>
        %dma_wait3A_56 = arith.constant 22400 : i32
        %dma_wait3A_57 = tpu.memref_slice %arg5[%dma_wait3A_56] : memref<35200xf32, #tpu.memory_space<vmem>> -> memref<3200xf32, #tpu.memory_space<vmem>>
        tpu.wait_dma2 semaphore(%run_scoped3A : memref<!tpu.dma_semaphore, #tpu.memory_space<semaphore_mem>>) src(%dma_wait3A_57 : memref<3200xf32, #tpu.memory_space<vmem>>) dst(%dma_wait3A_55 : memref<3200xf32, #tpu.memory_space<hbm>>)
        tpu.yield
      }) : () -> ()
      %add3A_42 = arith.constant 26214400 : i32
      %add3A_43 = arith.addi %add3A_42, %add3A_11 : i32
      "tpu.region"() ({
        %run_scoped3A = tpu.sem_alloc : memref<!tpu.dma_semaphore, #tpu.memory_space<semaphore_mem>>
        %dma_start3A = arith.constant 25600 : i32
        %dma_start3A_48 = tpu.memref_slice %arg5[%dma_start3A] : memref<35200xf32, #tpu.memory_space<vmem>> -> memref<3200xf32, #tpu.memory_space<vmem>>
        %dma_start3A_49 = tpu.memref_slice %arg3[%add3A_43] : memref<36044800xf32, #tpu.memory_space<hbm>> -> memref<3200xf32, #tpu.memory_space<hbm>>
        %dma_start3A_50 = tpu.memref_slice %arg3[%add3A_43] : memref<36044800xf32, #tpu.memory_space<hbm>> -> memref<3200xf32, #tpu.memory_space<hbm>>
        %dma_start3A_51 = arith.constant 25600 : i32
        %dma_start3A_52 = tpu.memref_slice %arg5[%dma_start3A_51] : memref<35200xf32, #tpu.memory_space<vmem>> -> memref<3200xf32, #tpu.memory_space<vmem>>
        tpu.enqueue_dma source(%dma_start3A_52 : memref<3200xf32, #tpu.memory_space<vmem>>) target(%dma_start3A_50 : memref<3200xf32, #tpu.memory_space<hbm>>) target_semaphore(%run_scoped3A : memref<!tpu.dma_semaphore, #tpu.memory_space<semaphore_mem>>)
        %dma_wait3A = arith.constant 25600 : i32
        %dma_wait3A_53 = tpu.memref_slice %arg5[%dma_wait3A] : memref<35200xf32, #tpu.memory_space<vmem>> -> memref<3200xf32, #tpu.memory_space<vmem>>
        %dma_wait3A_54 = tpu.memref_slice %arg3[%add3A_43] : memref<36044800xf32, #tpu.memory_space<hbm>> -> memref<3200xf32, #tpu.memory_space<hbm>>
        %dma_wait3A_55 = tpu.memref_slice %arg3[%add3A_43] : memref<36044800xf32, #tpu.memory_space<hbm>> -> memref<3200xf32, #tpu.memory_space<hbm>>
        %dma_wait3A_56 = arith.constant 25600 : i32
        %dma_wait3A_57 = tpu.memref_slice %arg5[%dma_wait3A_56] : memref<35200xf32, #tpu.memory_space<vmem>> -> memref<3200xf32, #tpu.memory_space<vmem>>
        tpu.wait_dma2 semaphore(%run_scoped3A : memref<!tpu.dma_semaphore, #tpu.memory_space<semaphore_mem>>) src(%dma_wait3A_57 : memref<3200xf32, #tpu.memory_space<vmem>>) dst(%dma_wait3A_55 : memref<3200xf32, #tpu.memory_space<hbm>>)
        tpu.yield
      }) : () -> ()
      %add3A_44 = arith.constant 29491200 : i32
      %add3A_45 = arith.addi %add3A_44, %add3A_11 : i32
      "tpu.region"() ({
        %run_scoped3A = tpu.sem_alloc : memref<!tpu.dma_semaphore, #tpu.memory_space<semaphore_mem>>
        %dma_start3A = arith.constant 28800 : i32
        %dma_start3A_48 = tpu.memref_slice %arg5[%dma_start3A] : memref<35200xf32, #tpu.memory_space<vmem>> -> memref<3200xf32, #tpu.memory_space<vmem>>
        %dma_start3A_49 = tpu.memref_slice %arg3[%add3A_45] : memref<36044800xf32, #tpu.memory_space<hbm>> -> memref<3200xf32, #tpu.memory_space<hbm>>
        %dma_start3A_50 = tpu.memref_slice %arg3[%add3A_45] : memref<36044800xf32, #tpu.memory_space<hbm>> -> memref<3200xf32, #tpu.memory_space<hbm>>
        %dma_start3A_51 = arith.constant 28800 : i32
        %dma_start3A_52 = tpu.memref_slice %arg5[%dma_start3A_51] : memref<35200xf32, #tpu.memory_space<vmem>> -> memref<3200xf32, #tpu.memory_space<vmem>>
        tpu.enqueue_dma source(%dma_start3A_52 : memref<3200xf32, #tpu.memory_space<vmem>>) target(%dma_start3A_50 : memref<3200xf32, #tpu.memory_space<hbm>>) target_semaphore(%run_scoped3A : memref<!tpu.dma_semaphore, #tpu.memory_space<semaphore_mem>>)
        %dma_wait3A = arith.constant 28800 : i32
        %dma_wait3A_53 = tpu.memref_slice %arg5[%dma_wait3A] : memref<35200xf32, #tpu.memory_space<vmem>> -> memref<3200xf32, #tpu.memory_space<vmem>>
        %dma_wait3A_54 = tpu.memref_slice %arg3[%add3A_45] : memref<36044800xf32, #tpu.memory_space<hbm>> -> memref<3200xf32, #tpu.memory_space<hbm>>
        %dma_wait3A_55 = tpu.memref_slice %arg3[%add3A_45] : memref<36044800xf32, #tpu.memory_space<hbm>> -> memref<3200xf32, #tpu.memory_space<hbm>>
        %dma_wait3A_56 = arith.constant 28800 : i32
        %dma_wait3A_57 = tpu.memref_slice %arg5[%dma_wait3A_56] : memref<35200xf32, #tpu.memory_space<vmem>> -> memref<3200xf32, #tpu.memory_space<vmem>>
        tpu.wait_dma2 semaphore(%run_scoped3A : memref<!tpu.dma_semaphore, #tpu.memory_space<semaphore_mem>>) src(%dma_wait3A_57 : memref<3200xf32, #tpu.memory_space<vmem>>) dst(%dma_wait3A_55 : memref<3200xf32, #tpu.memory_space<hbm>>)
        tpu.yield
      }) : () -> ()
      %add3A_46 = arith.constant 32768000 : i32
      %add3A_47 = arith.addi %add3A_46, %add3A_11 : i32
      "tpu.region"() ({
        %run_scoped3A = tpu.sem_alloc : memref<!tpu.dma_semaphore, #tpu.memory_space<semaphore_mem>>
        %dma_start3A = arith.constant 32000 : i32
        %dma_start3A_48 = tpu.memref_slice %arg5[%dma_start3A] : memref<35200xf32, #tpu.memory_space<vmem>> -> memref<3200xf32, #tpu.memory_space<vmem>>
        %dma_start3A_49 = tpu.memref_slice %arg3[%add3A_47] : memref<36044800xf32, #tpu.memory_space<hbm>> -> memref<3200xf32, #tpu.memory_space<hbm>>
        %dma_start3A_50 = tpu.memref_slice %arg3[%add3A_47] : memref<36044800xf32, #tpu.memory_space<hbm>> -> memref<3200xf32, #tpu.memory_space<hbm>>
        %dma_start3A_51 = arith.constant 32000 : i32
        %dma_start3A_52 = tpu.memref_slice %arg5[%dma_start3A_51] : memref<35200xf32, #tpu.memory_space<vmem>> -> memref<3200xf32, #tpu.memory_space<vmem>>
        tpu.enqueue_dma source(%dma_start3A_52 : memref<3200xf32, #tpu.memory_space<vmem>>) target(%dma_start3A_50 : memref<3200xf32, #tpu.memory_space<hbm>>) target_semaphore(%run_scoped3A : memref<!tpu.dma_semaphore, #tpu.memory_space<semaphore_mem>>)
        %dma_wait3A = arith.constant 32000 : i32
        %dma_wait3A_53 = tpu.memref_slice %arg5[%dma_wait3A] : memref<35200xf32, #tpu.memory_space<vmem>> -> memref<3200xf32, #tpu.memory_space<vmem>>
        %dma_wait3A_54 = tpu.memref_slice %arg3[%add3A_47] : memref<36044800xf32, #tpu.memory_space<hbm>> -> memref<3200xf32, #tpu.memory_space<hbm>>
        %dma_wait3A_55 = tpu.memref_slice %arg3[%add3A_47] : memref<36044800xf32, #tpu.memory_space<hbm>> -> memref<3200xf32, #tpu.memory_space<hbm>>
        %dma_wait3A_56 = arith.constant 32000 : i32
        %dma_wait3A_57 = tpu.memref_slice %arg5[%dma_wait3A_56] : memref<35200xf32, #tpu.memory_space<vmem>> -> memref<3200xf32, #tpu.memory_space<vmem>>
        tpu.wait_dma2 semaphore(%run_scoped3A : memref<!tpu.dma_semaphore, #tpu.memory_space<semaphore_mem>>) src(%dma_wait3A_57 : memref<3200xf32, #tpu.memory_space<vmem>>) dst(%dma_wait3A_55 : memref<3200xf32, #tpu.memory_space<hbm>>)
        tpu.yield
      }) : () -> ()
    }
    %scan3A_7 = arith.constant 32 : i32
    return
  }
}

</mosaic_0001>

<sc_bundles>
// kernel: kernel.3.cloned.1.call-start
scs
__scs_entry_jumppad:
0x0: {  	(pc) =	sbr.rel $0x88, $3  }
0x1: {  	(tag) =	ssettag $0x0;
	lr =	simm.s32 $0x1  }
0x2: {  	[smem:$0x3FA0] =	sst lr;
	_ =	strace $0xD0000000  }
0x3: {  	_ = 	snop  }
0x4: {  	_ = 	snop  }
0x5: {  	_ = 	snop  }
0x6: {  	_ = 	snop  }
0x7: {  	_ = 	snop  }
__scs_overlays_trampoline_lowered:
0x8: {  	[smem:$0x3FAF] =	sst s0  }
0x9: {  	[smem:$0x3FB0] =	sst s1  }
0xa: {  	[smem:$0x3FB1] =	sst s2  }
0xb: {  	[smem:$0x3FB2] =	sst s3  }
0xc: {  	[smem:$0x3FB3] =	sst s4  }
0xd: {  	[smem:$0x3FB4] =	sst s5  }
0xe: {  	[smem:$0x3FB5] =	sst s6  }
0xf: {  	[smem:$0x3FB6] =	sst s7  }
0x10: {  	[smem:$0x3FB7] =	sst s8  }
0x11: {  	[smem:$0x3FB8] =	sst s9;
	s0 =	simm.s32 @!p0 $0x0  }
0x12: {  	s1 =	sld [smem:$0x3F9E];
	s0 =	simm.s32 @p0 $0x1  }
0x13: {  	[smem:$0x3FB9] =	sst s0;
	s0 =	simm.s32 @!p1 $0x0  }
0x14: {  	s2 =	sld [smem:$0x3F9D];
	s0 =	simm.s32 @p1 $0x1  }
0x15: {  	[smem:$0x3FBA] =	sst s0;
	s0 =	simm.s32 @!p2 $0x0  }
0x16: {  	s3 =	sld [smem:$0x3FDB];
	s0 =	simm.s32 @p2 $0x1  }
0x17: {  	s4 =	simm.s32 $0x1BF5;
	[smem:$0x3FBC] =	sst s0  }
0x18: {  	s0 =	sld [smem:$0x3F9F];
	_ =	swait.ge [sflag:s4], $0x0  }
0x19: {  	s7 =	sld [smem:$0x3FA0]  }
0x1a: {  	s8 =	sadd.s32 $0xFFFFE003, lr  }
0x1b: {  	s9 =	sadd.s32 $0xFFFFFEF7, lr;
	s5 =	simm.s32 $0xFFFFFFFF;
	p2 =	slt.u32 s8, $0xFFFFF086  }
0x1c: {  	p1 =	slt.u32 s9, $0xF7A;
	s5 =	simm.s32 @!p2 $0x0  }
0x1d: {  	s5 =	simm.s32 @p1 $0x1;
	p0 =	seq.s32 s7, s2  }
0x1e: {  	s7 =	smul.u32 @!p0 $0xF7A, s2;
	p2 =	seq.s32 @!p0 s5, $0x0  }
0x1f: {  	s9 =	smul.u32 $0xF7A, s1;
	s8 =	simm.s32 @!p0 $0x1BF5;
	p2 =	por !p2, p0  }
0x20: {  	[sflag:s8] =	ssyncset.s32 @!p0 $0xFFFFF086;
	s6 =	sadd.s32 @!p0 s3, s7;
	s7 =	simm.s32 @!p0 $0x108  }
0x21: {  	s3 =	sadd.s32 s3, s9;
	s6 =	sadd.s32 @!p0 $0x88, s6;
	s7 =	simm.s32 @p2 $0x1082  }
0x22: {  	[simem:s7], [sflag:s8] =	dma.local @!p0 [hbm:s6], $0xF7A  }
0x23: {  	s9 =	sor.u32 $0xD0000000, s2;
	s6 =	simm.s32 $0x108;
	_ =	swait.ge @!p0 [sflag:s8], $0x0  }
0x24: {  	s3 =	sadd.s32 $0x88, s3;
	s6 =	simm.s32 @!p1 $0x1082;
	[sflag:s4] =	ssyncset.s32 $0xFFFFF086  }
0x25: {  	[simem:s6], [sflag:s4] =	dma.local [hbm:s3], $0xF7A  }
0x26: {  	[smem:$0x3FA0] =	sst s1;
	(tag) =	ssettag s2;
	_ =	strace s9  }
0x27: {  	s1 =	sld [smem:$0x3FB0]  }
0x28: {  	s2 =	sld [smem:$0x3FB1]  }
0x29: {  	s4 =	sld [smem:$0x3FB3]  }
0x2a: {  	p0 =	seq.s32 s5, $0x0;
	s5 =	sld [smem:$0x3FB4]  }
0x2b: {  	s6 =	sld [smem:$0x3FB5]  }
0x2c: {  	s7 =	sld [smem:$0x3FB6]  }
0x2d: {  	s3 =	simm.s32 $0x108;
	s8 =	sld [smem:$0x3FB7]  }
0x2e: {  	s3 =	simm.s32 @!p0 $0x1082;
	s9 =	sld [smem:$0x3FB8]  }
0x2f: {  	lr =	sadd.s32 s0, s3;
	s0 =	sld [smem:$0x3FAF]  }
0x30: {  	s3 =	sld [smem:$0x3FB2]  }
0x31: {  	[smem:$0x3FBB] =	sst s10  }
0x32: {  	s10 =	sld [smem:$0x3FB9];
	_ =	sdelay $0x3  }
0x33: {  	p0 =	seq.s32 s10, $0x1;
	s10 =	sld [smem:$0x3FBB];
	_ =	sdelay $0x3  }
0x34: {  	[smem:$0x3FBB] =	sst s10  }
0x35: {  	s10 =	sld [smem:$0x3FBA];
	_ =	sdelay $0x3  }
0x36: {  	p1 =	seq.s32 s10, $0x1;
	s10 =	sld [smem:$0x3FBB];
	_ =	sdelay $0x3  }
0x37: {  	[smem:$0x3FBB] =	sst s10  }
0x38: {  	s10 =	sld [smem:$0x3FBC]  }
0x39: {  	_ = 	snop;
	(pc) =	sbr.ind lr, $3  }
0x3a: {  	_ = 	snop  }
0x3b: {  	_ = 	snop  }
0x3c: {  	p2 =	seq.s32 s10, $0x1;
	s10 =	sld [smem:$0x3FBB]  }
0x3d: {  	_ =	shalt  }
0x3e: {  	_ =	shalt  }
0x3f: {  	_ =	shalt  }
0x40: {  	_ =	shalt  }
0x41: {  	_ =	shalt  }
0x42: {  	_ =	shalt  }
0x43: {  	_ =	shalt  }
0x44: {  	_ =	shalt  }
0x45: {  	_ =	shalt  }
0x46: {  	_ =	shalt  }
0x47: {  	_ =	shalt  }
0x48: {  	_ =	shalt  }
0x49: {  	_ =	shalt  }
0x4a: {  	_ =	shalt  }
0x4b: {  	_ =	shalt  }
0x4c: {  	_ =	shalt  }
0x4d: {  	_ =	shalt  }
0x4e: {  	_ =	shalt  }
0x4f: {  	_ =	shalt  }
0x50: {  	_ =	shalt  }
0x51: {  	_ =	shalt  }
0x52: {  	_ =	shalt  }
0x53: {  	_ =	shalt  }
0x54: {  	_ =	shalt  }
0x55: {  	_ =	shalt  }
0x56: {  	_ =	shalt  }
0x57: {  	_ =	shalt  }
0x58: {  	_ =	shalt  }
0x59: {  	_ =	shalt  }
0x5a: {  	_ =	shalt  }
0x5b: {  	_ =	shalt  }
0x5c: {  	_ =	shalt  }
0x5d: {  	_ =	shalt  }
0x5e: {  	_ =	shalt  }
0x5f: {  	_ =	shalt  }
0x60: {  	_ =	shalt  }
0x61: {  	_ =	shalt  }
0x62: {  	_ =	shalt  }
0x63: {  	_ =	shalt  }
0x64: {  	_ =	shalt  }
0x65: {  	_ =	shalt  }
0x66: {  	_ =	shalt  }
0x67: {  	_ =	shalt  }
0x68: {  	_ =	shalt  }
0x69: {  	_ =	shalt  }
0x6a: {  	_ =	shalt  }
0x6b: {  	_ =	shalt  }
0x6c: {  	_ =	shalt  }
0x6d: {  	_ =	shalt  }
0x6e: {  	_ =	shalt  }
0x6f: {  	_ =	shalt  }
0x70: {  	_ =	shalt  }
0x71: {  	_ =	shalt  }
0x72: {  	_ =	shalt  }
0x73: {  	_ =	shalt  }
0x74: {  	_ =	shalt  }
0x75: {  	_ =	shalt  }
0x76: {  	_ =	shalt  }
0x77: {  	_ =	shalt  }
0x78: {  	_ =	shalt  }
0x79: {  	_ =	shalt  }
0x7a: {  	_ =	shalt  }
0x7b: {  	_ =	shalt  }
0x7c: {  	_ =	shalt  }
0x7d: {  	_ =	shalt  }
0x7e: {  	_ =	shalt  }
0x7f: {  	_ =	shalt  }
0x80: {  	_ =	shalt  }
0x81: {  	_ =	shalt  }
0x82: {  	_ =	shalt  }
0x83: {  	_ =	shalt  }
0x84: {  	_ =	shalt  }
0x85: {  	_ =	shalt  }
0x86: {  	_ =	shalt  }
0x87: {  	_ =	shalt  }
.Lfunc_end0:
.L_simem_size_0:
called_computation_lowered:
.L_overlay_start_0:
0x88: {  	s2 =	sld [smem:$0x3FD9]  }
0x89: {  	s3 =	sld [smem:$0x3FFE];
	_ =	sdelay $0x1  }
0x8a: {  	s1 =	srdreg.scid  }
0x8b: {  	s0 =	sand.u32 $0x1, s1  }
0x8c: {  	s18 =	sshll.u32 s0, $0xA;
	s2 =	sadd.s32 s3, s2  }
0x8d: {  	s2 =	sadd.s32 s2, s18  }
0x8e: {  	[smem:$0x3FC7] =	sst s2  }
0x8f: {  	_ = 	snop  }
0x90: {  	s2 =	sld [smem:$0x3FC9]  }
0x91: {  	s19 =	sld [smem:$0x3FD0];
	(tm) =	ssettm $0x1  }
0x92: {  	s4 =	sld [smem:$0x3FFB];
	_ =	sdelay $0x3  }
0x93: {  	_ =	strace s4  }
0x94: {  	s4 =	sld [smem:$0x3FFC];
	_ =	sdelay $0x3  }
0x95: {  	_ =	strace s4  }
0x96: {  	s4 =	sld [smem:$0x3FFD];
	_ =	sdelay $0x3  }
0x97: {  	_ =	strace s4  }
0x98: {  	_ =	strace $0x8FFFFFFF  }
0x99: {  	s20 =	sld [smem:$0x3FDB];
	_ =	sdelay $0x1  }
0x9a: {  	s5 =	simm.s32 $_scs_section_size  }
0x9b: {  	s6 =	simm.s32 $_size__tile_overlayer_lowered;
	s7 =	simm.s32 $_tile_overlayer_lowered  }
0x9c: {  	s23 =	simm.s32 $0x1BFF;
	s22 =	sshll.u32 s7, $0x1;
	s4 =	sadd.s32 s5, s20  }
0x9d: {  	s8 =	simm.s32 $0x0;
	s21 =	sshll.u32 s6, $0x1;
	s6 =	sadd.s32 s22, s4  }
0x9e: {  	[timem:s8], [sflag:s23] =	dma.local [hbm:s6], s21  }
0x9f: {  	_ =	swait.ge [sflag:s23], s21  }
0xa0: {  	s5 =	ssub.s32 $0x0, s21;
	[sflag:s23] =	ssyncset.done $0x0  }
0xa1: {  	[sflag:s23] =	ssyncadd.s32 s5;
	_ =	sdelay $0x1  }
0xa2: {  	s24 =	simm.s32 $0x1B8B  }
0xa3: {  	_ =	swait.ge [sflag:s24], $0x1  }
0xa4: {  	[sflag:s24] =	ssyncset.done $0x0  }
0xa5: {  	s25 =	simm.s32 $0x1B8E;
	[sflag:s24] =	ssyncadd.s32 $0xFFFFFFFF  }
0xa6: {  	s26 =	simm.s32 $execute0_lowered;
	[smem:$0x3FD2] =	sst s25  }
0xa7: {  	s5 =	sshll.u32 s26, $0x1;
	_ =	strace $0x80000046;
	[dreg:$0x1] =	wrdreg $0xFFFFFFFF  }
0xa8: {  	s28 =	simm.s32 $_size_execute0_lowered;
	s4 =	sadd.s32 s4, s5;
	[dreg:$0x0] =	wrdreg $0x0  }
0xa9: {  	s5 =	sshll.u32 s28, $0x1;
	[dreg:$0x2] =	wrdreg s4  }
0xaa: {  	[dreg:$0x3] =	wrdreg s5  }
0xab: {  	[dreg:$0x4] =	wrdreg $0xC0  }
0xac: {  	_ =	task [dreg:s8], $0x5FFFF  }
0xad: {  	[dreg:$0x1] =	wrdreg $0xFFFFFFFF  }
0xae: {  	[dreg:$0x0] =	wrdreg $0x60  }
0xaf: {  	[dreg:$0x2] =	wrdreg s2  }
0xb0: {  	[dreg:$0x3] =	wrdreg s19  }
0xb1: {  	[dreg:$0x4] =	wrdreg $0x9  }
0xb2: {  	_ =	task.clear_ibuf [dreg:s8], $0x5FFFF;
	_ =	strace $0x90000046  }
0xb3: {  	s29 =	simm.s32 $0x9;
	_ =	strace $0x80000048  }
0xb4: {  	_ =	swait.ge [sflag:s29], $0x1  }
0xb5: {  	[sflag:s29] =	ssyncadd.s32 $0xFFFFFFFF  }
0xb6: {  	_ =	strace $0x90000048  }
0xb7: {  	_ =	sfence  }
0xb8: {  	s30 =	sld [smem:$0x0];
	_ =	sdelay $0x2  }
0xb9: {  	s31 =	sshll.u32 s1, $0xD;
	s1 =	sshrl.u32 s1, $0x2  }
0xba: {  	s3 =	sand.u32 $0x4000, s31;
	s1 =	sadd.s32 s1, s30  }
0xbb: {  	s0 =	sor.u32 s3, s0;
	s1 =	sshll.u32 s1, $0x11  }
0xbc: {  	s0 =	sor.u32 s1, s0  }
0xbd: {  	s0 =	sadd.s32 $0x8F2B, s0  }
0xbe: {  	[sflag:s0] =	ssyncadd.remote.s32 $0x1  }
0xbf: {  	_ =	sfence.sel $0xFFFF  }
0xc0: {  	[dreg:$0x0] =	wrdreg $0xFFFFFFFF;
	(pc) =	sbr.abs _section_cstart, $3  }
0xc1: {  	[dreg:$0x1] =	wrdreg $0xFFFFFFFF  }
0xc2: {  	_ =	task.clear_ibuf [dreg:s8], $0x2FFFF;
	_ =	strace $0x9FFFFFFF  }
0xc3: {  	(tm) =	ssettm $0x7FFFFFFF  }
tec
execute0_lowered:
.L_overlay_start_1:
0x0: {  	(tag) =	ssettag $0x1  }
0x1: {  	s0 =	srdreg.scid;
	s3 =	stileid.u32  }
0x2: {  	s0 =	sand.u32 $0x1, s0;
	s3 =	sshll.u32 s3, $0x1  }
0x3: {  	v0 =	vimm.s32 $0xECA86420;
	vm0 =	vcmask $0xB08;
	vm1 =	vcmask $0x1310;
	s1 =	ssub.s32 $0x2, s0;
	s0 =	sor.u32 s0, s3  }
0x4: {  	s4 =	simm.s32 $0x0;
	vm2 =	vcmask $0x1B18;
	vm3 =	vcmask $0x300;
	vm4 =	vcmask $0x2320;
	s2 =	sshrl.u32 s1, $0x1;
	s0 =	smul.u32 $0x19000, s0  }
0x5: {  	vm5 =	vcmask $0x2B28;
	vm6 =	vcmask $0x3330;
	[smem:$0x7FF] =	sst s4;
	v0 =	vunpack.c.l.s4.s8 v0;
	s1 =	ssub.s32 s1, s2  }
0x6: {  	vm7 =	vcmask $0x3B38;
	v1 =	vlaneseq.u32;
	vm8 =	vmmov $0xff;
	_ =	strace $0x80000047;
	[dreg:$0x3] =	wrdreg s0;
	s31 =	smax.u32 s1, $0x1  }
0x7: {  	v2 =	vimm.s32 $0x0;
	s4 =	simm.s32 $0x1;
	v1 =	vmul.u32 $0x2, v1;
	v0 =	vunpack.c.0.s8.s32 v0;
	s1 =	simm.s32 $0x0;
	[dreg:$0x4] =	wrdreg s31  }
.LBB2_1:
0x8: {  	[dreg:$0x5] =	wrdreg s1;
	s0 =	simm.s32 $0x0  }
.LBB2_2:
0x9: {  	s20 =	smul.u32 $0xC80, s0  }
0xa: {  	s1 =	rddreg [dreg:$0x3]  }
0xb: {  	[dreg:$0x6] =	wrdreg s0;
	s0 =	sadd.s32 s1, s20  }
0xc: {  	s21 =	rddreg [dreg:$0x0];
	s3 =	sshrl.u32 s0, $0x3  }
0xd: {  	s5 =	simm.s32 $0x0;
	s0 =	sadd.s32 s21, s3  }
0xe: {  	[tilespmem:s5], [sflag:$0x1] =	stream.linear.gather [hbm4b:s0+s5], $0xC80, $0x38;
	[tilespmem:$0xD480] =	vst v63  }
0xf: {  	_ =	swait.ge [sflag:s4], $0xC80  }
0x10: {  	s2 =	simm.s32 $0xC80;
	s22 =	sadd.s32 $0x64000, s3;
	[sflag:s4] =	ssyncset.done $0x0  }
0x11: {  	s0 =	sadd.s32 s21, s22;
	[dreg:$0x8] =	wrdreg s22;
	[sflag:s4] =	ssyncadd.s32 $0xFFFFF380  }
0x12: {  	[tilespmem:s2], [sflag:$0x1] =	stream.linear.gather [hbm4b:s0+s5], $0xC80, $0x38;
	[tilespmem:$0xD480] =	vst v63  }
0x13: {  	_ =	swait.ge [sflag:s4], $0xC80  }
0x14: {  	s24 =	simm.s32 $0x1900;
	s23 =	sadd.s32 $0xC8000, s3;
	[sflag:s4] =	ssyncset.done $0x0  }
0x15: {  	s0 =	sadd.s32 s21, s23;
	[dreg:$0x9] =	wrdreg s23;
	[sflag:s4] =	ssyncadd.s32 $0xFFFFF380  }
0x16: {  	[tilespmem:s24], [sflag:$0x1] =	stream.linear.gather [hbm4b:s0+s5], $0xC80, $0x38;
	[tilespmem:$0xD480] =	vst v63  }
0x17: {  	_ =	swait.ge [sflag:s4], $0xC80  }
0x18: {  	s26 =	simm.s32 $0x2580;
	s25 =	sadd.s32 $0x12C000, s3;
	[sflag:s4] =	ssyncset.done $0x0  }
0x19: {  	s0 =	sadd.s32 s21, s25;
	[dreg:$0xa] =	wrdreg s25;
	[sflag:s4] =	ssyncadd.s32 $0xFFFFF380  }
0x1a: {  	[tilespmem:s26], [sflag:$0x1] =	stream.linear.gather [hbm4b:s0+s5], $0xC80, $0x38;
	[tilespmem:$0xD480] =	vst v63  }
0x1b: {  	_ =	swait.ge [sflag:s4], $0xC80  }
0x1c: {  	s29 =	simm.s32 $0x3200;
	s28 =	sadd.s32 $0x190000, s3;
	[sflag:s4] =	ssyncset.done $0x0  }
0x1d: {  	s0 =	sadd.s32 s21, s28;
	[dreg:$0xc] =	wrdreg s28;
	[sflag:s4] =	ssyncadd.s32 $0xFFFFF380  }
0x1e: {  	[tilespmem:s29], [sflag:$0x1] =	stream.linear.gather [hbm4b:s0+s5], $0xC80, $0x38;
	[tilespmem:$0xD480] =	vst v63  }
0x1f: {  	s31 =	simm.s32 $0x3E80;
	_ =	swait.ge [sflag:s4], $0xC80  }
0x20: {  	s30 =	sadd.s32 $0x1F4000, s3;
	[dreg:$0x7] =	wrdreg s3;
	[sflag:s4] =	ssyncset.done $0x0  }
0x21: {  	s0 =	sadd.s32 s21, s30;
	[dreg:$0xd] =	wrdreg s30;
	[sflag:s4] =	ssyncadd.s32 $0xFFFFF380  }
0x22: {  	[tilespmem:s31], [sflag:$0x1] =	stream.linear.gather [hbm4b:s0+s5], $0xC80, $0x38;
	[tilespmem:$0xD480] =	vst v63  }
0x23: {  	_ =	swait.ge [sflag:s4], $0xC80  }
0x24: {  	[sflag:s4] =	ssyncset.done $0x0  }
0x25: {  	s0 =	simm.s32 $0xFFFFFFF8;
	[sflag:s4] =	ssyncadd.s32 $0xFFFFF380  }
.LBB2_3:
0x26: {  	s24 =	sshra.s32 s5, $0x2  }
0x27: {  	v3 =	vld [tilespmem:s24+$0x3E80];
	_ =	sdelay $0x4  }
0x28: {  	v3 =	vtrunc.f32 v3  }
0x29: {  	v4 =	vcvt.f32.s32 v3;
	_ =	sdelay $0x1  }
0x2a: {  	(v2sf) =	vpush v4, $0xD;
	_ =	sdelay $0x1  }
0x2b: {  	(v2sf) =	vpush v4, $0xC;
	_ =	sdelay $0x1  }
0x2c: {  	(v2sf) =	vpush v4, $0xE;
	_ =	sdelay $0x1  }
0x2d: {  	(v2sf) =	vpush v4, $0xF;
	_ =	sdelay $0x1  }
0x2e: {  	(v2sf) =	vpush v4, $0x9;
	_ =	sdelay $0x1  }
0x2f: {  	(v2sf) =	vpush v4, $0x8  }
0x30: {  	(v2sf) =	vpush v4, $0xA;
	_ =	sdelay $0x1  }
0x31: {  	(v2sf) =	vpush v4, $0xB;
	_ =	sdelay $0x1  }
0x32: {  	[dreg:$0xe] =	wrdreg s0;
	s13 =	spop (v2sf)  }
0x33: {  	[dreg:$0xb] =	wrdreg s5;
	(v2sf) =	vpush v4, $0x1;
	s5 =	smulhi.u32 $0x55555556, s13;
	s0 =	sshra.s32 s13, $0x1F  }
0x34: {  	s14 =	spop (v2sf);
	s1 =	smul.u32 $0x55555556, s0  }
0x35: {  	s8 =	smulhi.u32 $0x55555556, s14;
	s0 =	sshra.s32 s14, $0x1F  }
0x36: {  	(v2sf) =	vpush v4, $0x0;
	s2 =	spop (v2sf);
	s0 =	smul.u32 $0x55555556, s0  }
0x37: {  	s9 =	smulhi.u32 $0x55555556, s2;
	s2 =	sshra.s32 s2, $0x1F  }
0x38: {  	(v2sf) =	vpush v4, $0x2;
	s15 =	spop (v2sf);
	s13 =	smul.u32 $0x55555556, s2  }
0x39: {  	s10 =	smulhi.u32 $0x55555556, s15;
	s2 =	sshra.s32 s15, $0x1F  }
0x3a: {  	(v2sf) =	vpush v4, $0x3;
	s16 =	spop (v2sf);
	s7 =	smul.u32 $0x55555556, s2  }
0x3b: {  	s11 =	smulhi.u32 $0x55555556, s16;
	s2 =	sshra.s32 s16, $0x1F  }
0x3c: {  	(v2sf) =	vpush v4, $0x4;
	s17 =	spop (v2sf);
	s6 =	smul.u32 $0x55555556, s2  }
0x3d: {  	s15 =	smulhi.u32 $0x55555556, s17;
	s18 =	spop (v2sf)  }
0x3e: {  	v3 =	vld [tilespmem:s24+$0x3E90];
	(v2sf) =	vpush v4, $0x5;
	s2 =	sshra.s32 s17, $0x1F;
	s3 =	smulhi.u32 $0x55555556, s18  }
0x3f: {  	s23 =	smul.u32 $0x55555556, s2;
	s2 =	sshra.s32 s18, $0x1F;
	s19 =	spop (v2sf)  }
0x40: {  	(v2sf) =	vpush v4, $0x6;
	[dreg:$0x1f] =	wrdreg s3;
	s3 =	smul.u32 $0x55555556, s2;
	s2 =	sshra.s32 s19, $0x1F  }
0x41: {  	s2 =	smul.u32 $0x55555556, s2  }
0x42: {  	s4 =	smulhi.u32 $0x55555556, s19;
	s20 =	spop (v2sf)  }
0x43: {  	v3 =	vtrunc.f32 v3;
	(v2sf) =	vpush v4, $0x7;
	s21 =	smulhi.u32 $0x55555556, s20;
	[smem:$0x7EF] =	sst s2;
	s2 =	sshra.s32 s20, $0x1F  }
0x44: {  	v7 =	vcvt.f32.s32 v3;
	[smem:$0x7EE] =	sst s4;
	s2 =	smul.u32 $0x55555556, s2  }
0x45: {  	s22 =	spop (v2sf);
	[smem:$0x7F0] =	sst s21  }
0x46: {  	(v2sf) =	vpush v7, $0xD;
	s25 =	smulhi.u32 $0x55555556, s22;
	[smem:$0x7F1] =	sst s2;
	s2 =	sshra.s32 s22, $0x1F  }
0x47: {  	s2 =	smul.u32 $0x55555556, s2;
	s26 =	spop (v2sf)  }
0x48: {  	(v2sf) =	vpush v7, $0xC;
	[smem:$0x7F2] =	sst s25;
	s28 =	smulhi.u32 $0x55555556, s26;
	s4 =	sshra.s32 s26, $0x1F  }
0x49: {  	s30 =	spop (v2sf);
	s29 =	smul.u32 $0x55555556, s4  }
0x4a: {  	[smem:$0x7F3] =	sst s2;
	s31 =	smulhi.u32 $0x55555556, s30;
	s4 =	sshra.s32 s30, $0x1F  }
0x4b: {  	(v2sf) =	vpush v7, $0xE;
	s14 =	spop (v2sf);
	s12 =	smul.u32 $0x55555556, s4  }
0x4c: {  	[smem:$0x7F4] =	sst s28;
	s16 =	smulhi.u32 $0x55555556, s14  }
0x4d: {  	(v2sf) =	vpush v7, $0xF;
	s4 =	sshra.s32 s14, $0x1F;
	s18 =	spop (v2sf);
	[smem:$0x7F5] =	sst s29  }
0x4e: {  	[smem:$0x7F6] =	sst s31;
	s17 =	smul.u32 $0x55555556, s4  }
0x4f: {  	(v2sf) =	vpush v7, $0x9;
	s19 =	smulhi.u32 $0x55555556, s18;
	s4 =	sshra.s32 s18, $0x1F;
	s21 =	spop (v2sf)  }
0x50: {  	[smem:$0x7F7] =	sst s12;
	s20 =	smul.u32 $0x55555556, s4  }
0x51: {  	(v2sf) =	vpush v7, $0x8;
	[smem:$0x7F8] =	sst s16;
	s22 =	smulhi.u32 $0x55555556, s21  }
0x52: {  	s4 =	sshra.s32 s21, $0x1F;
	s25 =	spop (v2sf);
	[smem:$0x7F9] =	sst s17  }
0x53: {  	(v2sf) =	vpush v7, $0xA;
	[smem:$0x7FA] =	sst s19;
	s2 =	smul.u32 $0x55555556, s4  }
0x54: {  	s12 =	smulhi.u32 $0x55555556, s25;
	s17 =	sadd.s32 s0, s8;
	s8 =	sld [smem:$0x7EE]  }
0x55: {  	s4 =	sshra.s32 s25, $0x1F;
	s26 =	spop (v2sf);
	[smem:$0x7FB] =	sst s20  }
0x56: {  	(v2sf) =	vpush v7, $0xB;
	[smem:$0x7FC] =	sst s22;
	s29 =	smul.u32 $0x55555556, s4  }
0x57: {  	s31 =	smulhi.u32 $0x55555556, s26;
	s4 =	sshra.s32 s26, $0x1F;
	s28 =	spop (v2sf)  }
0x58: {  	s26 =	sadd.s32 s13, s9;
	s9 =	sld [smem:$0x7EF];
	s22 =	smul.u32 $0x55555556, s4  }
0x59: {  	[smem:$0x7FD] =	sst s12;
	s25 =	smulhi.u32 $0x55555556, s28;
	s4 =	sshra.s32 s28, $0x1F  }
0x5a: {  	s28 =	sadd.s32 s7, s10;
	s20 =	smul.u32 $0x55555556, s4;
	s30 =	spop (v2sf)  }
0x5b: {  	(v2sf) =	vpush v7, $0x1;
	s7 =	rddreg [dreg:$0x1f];
	s21 =	smulhi.u32 $0x55555556, s30;
	s4 =	sshra.s32 s30, $0x1F  }
0x5c: {  	s18 =	smul.u32 $0x55555556, s4;
	s4 =	spop (v2sf)  }
0x5d: {  	s30 =	sadd.s32 s1, s5;
	s19 =	smulhi.u32 $0x55555556, s4;
	s5 =	sshra.s32 s4, $0x1F  }
0x5e: {  	s12 =	spop (v2sf);
	s14 =	smul.u32 $0x55555556, s5  }
0x5f: {  	[dreg:$0x1e] =	wrdreg s28;
	s16 =	smulhi.u32 $0x55555556, s12;
	s0 =	sshra.s32 s12, $0x1F  }
0x60: {  	s4 =	spop (v2sf);
	s12 =	smul.u32 $0x55555556, s0  }
0x61: {  	s28 =	sadd.s32 s6, s11;
	s13 =	smulhi.u32 $0x55555556, s4;
	s5 =	sshra.s32 s4, $0x1F  }
0x62: {  	s6 =	spop (v2sf);
	s0 =	sadd.s32 s3, s7;
	s3 =	sld [smem:$0x7F0]  }
0x63: {  	s23 =	sadd.s32 s23, s15;
	s7 =	sld [smem:$0x7F2];
	s11 =	smul.u32 $0x55555556, s5  }
0x64: {  	[dreg:$0x1d] =	wrdreg s0;
	s10 =	smulhi.u32 $0x55555556, s6;
	s4 =	sshra.s32 s6, $0x1F  }
0x65: {  	s0 =	sadd.s32 s9, s8;
	s15 =	spop (v2sf);
	s5 =	sld [smem:$0x7F1]  }
0x66: {  	s8 =	smulhi.u32 $0x55555556, s15;
	s6 =	sshra.s32 s15, $0x1F;
	s15 =	sld [smem:$0x7F3]  }
0x67: {  	[dreg:$0x1c] =	wrdreg s0  }
0x68: {  	s0 =	sadd.s32 s5, s3;
	s5 =	sld [smem:$0x7F4]  }
0x69: {  	s15 =	sadd.s32 s15, s7;
	s7 =	smul.u32 $0x55555556, s6;
	s6 =	sld [smem:$0x7F5]  }
0x6a: {  	s9 =	smul.u32 $0x55555556, s4;
	s4 =	spop (v2sf)  }
0x6b: {  	[dreg:$0x1a] =	wrdreg s0;
	s0 =	sshra.s32 s4, $0x1F  }
0x6c: {  	s1 =	sadd.s32 s6, s5;
	s6 =	smulhi.u32 $0x55555556, s4;
	s4 =	sld [smem:$0x7F6]  }
0x6d: {  	s5 =	sld [smem:$0x7F7]  }
0x6e: {  	s3 =	sld [smem:$0x7F8]  }
0x6f: {  	(v2sf) =	vpush v7, $0x0;
	[dreg:$0x1b] =	wrdreg s1  }
0x70: {  	s1 =	sadd.s32 s5, s4;
	s5 =	sld [smem:$0x7F9]  }
0x71: {  	(v2sf) =	vpush v7, $0x2  }
0x72: {  	[dreg:$0x19] =	wrdreg s1  }
0x73: {  	(v2sf) =	vpush v7, $0x3;
	s1 =	sadd.s32 s5, s3;
	s3 =	sld [smem:$0x7FB]  }
0x74: {  	[dreg:$0x18] =	wrdreg s1  }
0x75: {  	(v2sf) =	vpush v7, $0x4;
	s1 =	sld [smem:$0x7FA]  }
0x76: {  	v3 =	vld [tilespmem:s24+$0x3EA0]  }
0x77: {  	(v2sf) =	vpush v7, $0x5  }
0x78: {  	s1 =	sadd.s32 s3, s1  }
0x79: {  	(v2sf) =	vpush v7, $0x6;
	[dreg:$0x17] =	wrdreg s1  }
0x7a: {  	s1 =	sld [smem:$0x7FC]  }
0x7b: {  	v3 =	vtrunc.f32 v3;
	(v2sf) =	vpush v7, $0x7  }
0x7c: {  	v5 =	vcvt.f32.s32 v3  }
0x7d: {  	s4 =	smul.u32 $0x55555556, s0;
	s1 =	sadd.s32 s2, s1  }
0x7e: {  	s22 =	sadd.s32 s22, s31;
	(v2sf) =	vpush v5, $0xD;
	s0 =	spop (v2sf);
	[dreg:$0x16] =	wrdreg s1  }
0x7f: {  	s5 =	smulhi.u32 $0x55555556, s0;
	s0 =	sshra.s32 s0, $0x1F;
	s1 =	sld [smem:$0x7FD]  }
0x80: {  	s25 =	sadd.s32 s20, s25;
	(v2sf) =	vpush v5, $0xC;
	s3 =	smul.u32 $0x55555556, s0;
	s0 =	spop (v2sf)  }
0x81: {  	s14 =	sadd.s32 s14, s19;
	s2 =	smulhi.u32 $0x55555556, s0;
	s0 =	sshra.s32 s0, $0x1F  }
0x82: {  	(v2sf) =	vpush v5, $0xE;
	s29 =	sadd.s32 s29, s1;
	s1 =	smul.u32 $0x55555556, s0;
	s0 =	spop (v2sf)  }
0x83: {  	[dreg:$0x15] =	wrdreg s14;
	s31 =	smulhi.u32 $0x55555556, s0;
	s0 =	sshra.s32 s0, $0x1F  }
0x84: {  	s18 =	sadd.s32 s18, s21;
	s20 =	smul.u32 $0x55555556, s0;
	s0 =	spop (v2sf)  }
0x85: {  	s14 =	sadd.s32 s12, s16;
	s21 =	smulhi.u32 $0x55555556, s0;
	s0 =	sshra.s32 s0, $0x1F  }
0x86: {  	s5 =	sadd.s32 s3, s5;
	s19 =	spop (v2sf);
	s0 =	smul.u32 $0x55555556, s0  }
0x87: {  	v45 =	vmov s5;
	s5 =	sshrl.u32 s5, $0x1F;
	(v2sf) =	vpush v5, $0xF;
	s16 =	smulhi.u32 $0x55555556, s19;
	s12 =	sshra.s32 s19, $0x1F  }
0x88: {  	s19 =	sadd.s32 s11, s13;
	s13 =	smul.u32 $0x55555556, s12;
	s12 =	spop (v2sf)  }
0x89: {  	s1 =	sadd.s32 s1, s2;
	s11 =	sadd.s32 s9, s10;
	s9 =	smulhi.u32 $0x55555556, s12  }
0x8a: {  	(v2sf) =	vpush v5, $0x9;
	s10 =	sshra.s32 s12, $0x1F;
	s12 =	sadd.s32 s7, s8;
	s7 =	spop (v2sf)  }
0x8b: {  	s0 =	sadd.s32 s0, s21;
	s8 =	smul.u32 $0x55555556, s10;
	s10 =	sadd.s32 s4, s6  }
0x8c: {  	s4 =	smulhi.u32 $0x55555556, s7;
	s7 =	sshra.s32 s7, $0x1F;
	[dreg:$0x14] =	wrdreg s0  }
0x8d: {  	(v2sf) =	vpush v5, $0x8;
	s13 =	sadd.s32 s13, s16;
	s3 =	smul.u32 $0x55555556, s7;
	s7 =	spop (v2sf)  }
0x8e: {  	[dreg:$0x13] =	wrdreg s13;
	s2 =	smulhi.u32 $0x55555556, s7;
	s6 =	sshra.s32 s7, $0x1F  }
0x8f: {  	(v2sf) =	vpush v5, $0xA;
	s7 =	sadd.s32 s20, s31;
	s31 =	spop (v2sf);
	s6 =	smul.u32 $0x55555556, s6  }
0x90: {  	s8 =	sadd.s32 s8, s9;
	s0 =	smulhi.u32 $0x55555556, s31;
	s20 =	sshra.s32 s31, $0x1F  }
0x91: {  	s9 =	sshrl.u32 s30, $0x1F;
	s21 =	spop (v2sf);
	s13 =	smul.u32 $0x55555556, s20  }
0x92: {  	(v2sf) =	vpush v5, $0xB;
	[dreg:$0x12] =	wrdreg s8;
	s8 =	smulhi.u32 $0x55555556, s21;
	s31 =	sshra.s32 s21, $0x1F  }
0x93: {  	(v2sf) =	vpush v5, $0x1;
	s21 =	sadd.s32 s3, s4;
	s16 =	smul.u32 $0x55555556, s31;
	s2 =	sadd.s32 s6, s2  }
0x94: {  	s6 =	sshrl.u32 s17, $0x1F;
	[dreg:$0xf] =	wrdreg s2;
	s0 =	sadd.s32 s13, s0  }
0x95: {  	v6 =	vmov s6;
	[dreg:$0x11] =	wrdreg s0;
	s8 =	sadd.s32 s16, s8;
	s16 =	sshrl.u32 s26, $0x1F  }
0x96: {  	v8 =	vmov s23;
	v6 =	vsel vm0, s9, v6;
	s9 =	sshrl.u32 s23, $0x1F;
	s23 =	rddreg [dreg:$0x1c];
	s20 =	spop (v2sf)  }
0x97: {  	v3 =	vmov s17;
	[dreg:$0x10] =	wrdreg s8;
	v6 =	vsel vm1, s16, v6;
	v37 =	vmov s9;
	s16 =	sshrl.u32 s15, $0x1F;
	s9 =	sshrl.u32 s23, $0x1F  }
0x98: {  	v3 =	vsel vm0, s30, v3;
	s31 =	smulhi.u32 $0x55555556, s20;
	s4 =	sshra.s32 s20, $0x1F;
	s20 =	rddreg [dreg:$0x1e]  }
0x99: {  	v3 =	vsel vm1, s26, v3;
	s4 =	smul.u32 $0x55555556, s4;
	s13 =	spop (v2sf);
	s26 =	sshrl.u32 s20, $0x1F  }
0x9a: {  	(v2sf) =	vpush v5, $0x0;
	s2 =	smulhi.u32 $0x55555556, s13;
	s17 =	sshra.s32 s13, $0x1F;
	v36 =	vsel vm2, s26, v6;
	s26 =	rddreg [dreg:$0x1a]  }
0x9b: {  	(v2sf) =	vpush v5, $0x2;
	s30 =	sadd.s32 s4, s31;
	s0 =	smul.u32 $0x55555556, s17;
	s17 =	rddreg [dreg:$0x1d]  }
0x9c: {  	v9 =	vmov s15;
	(v2sf) =	vpush v5, $0x3;
	v10 =	vmov s16;
	s31 =	sshrl.u32 s28, $0x1F;
	s13 =	spop (v2sf);
	s3 =	sshrl.u32 s17, $0x1F  }
0x9d: {  	v11 =	vsel vm2, s20, v3;
	v3 =	vsel vm0, s28, v8;
	v6 =	vsel vm0, s31, v37;
	s31 =	rddreg [dreg:$0x1b];
	s8 =	smulhi.u32 $0x55555556, s13;
	s6 =	sshra.s32 s13, $0x1F  }
0x9e: {  	v10 =	vnsel vm3, $0x0, v10;
	v3 =	vsel vm1, s17, v3;
	s20 =	spop (v2sf);
	v6 =	vsel vm1, s3, v6;
	s3 =	sshrl.u32 s26, $0x1F;
	s4 =	smul.u32 $0x55555556, s6  }
0x9f: {  	(v2sf) =	vpush v5, $0x4;
	v12 =	vsel vm2, s23, v3;
	s13 =	smulhi.u32 $0x55555556, s20;
	s6 =	sshra.s32 s20, $0x1F;
	v10 =	vsel vm0, s3, v10;
	s3 =	sshrl.u32 s31, $0x1F  }
0xa0: {  	v13 =	vsel vm2, s9, v6;
	s9 =	rddreg [dreg:$0x19];
	s20 =	sadd.s32 s0, s2;
	v11 =	vcombine.low v12, v11;
	v12 =	vnsel vm3, $0x0, v45;
	s6 =	smul.u32 $0x55555556, s6  }
0xa1: {  	v3 =	vnsel vm3, $0x0, v9;
	s28 =	spop (v2sf);
	v39 =	vsel vm1, s3, v10;
	s3 =	sshrl.u32 s9, $0x1F;
	v12 =	vsel vm0, s10, v12;
	s10 =	sshrl.u32 s10, $0x1F  }
0xa2: {  	v38 =	vld [tilespmem:s24+$0x3EB0];
	v3 =	vsel vm0, s26, v3;
	s16 =	smulhi.u32 $0x55555556, s28;
	s15 =	sshra.s32 s28, $0x1F;
	s26 =	spop (v2sf)  }
0xa3: {  	vm9 =	vlt.s32 v4, $0x1;
	v41 =	vmov s25;
	(v2sf) =	vpush v5, $0x5;
	s28 =	rddreg [dreg:$0x18];
	s23 =	sadd.s32 s4, s8;
	s17 =	smul.u32 $0x55555556, s15  }
0xa4: {  	v16 =	vmov s5;
	v3 =	vsel vm1, s31, v3;
	v6 =	vsel vm2, s3, v39;
	s4 =	rddreg [dreg:$0x17];
	s3 =	sshrl.u32 s28, $0x1F;
	s31 =	smulhi.u32 $0x55555556, s26  }
0xa5: {  	v3 =	vsel vm2, s9, v3;
	(v2sf) =	vpush v5, $0x6;
	v12 =	vsel vm1, s1, v12;
	s15 =	sshra.s32 s26, $0x1F;
	s2 =	sshrl.u32 s4, $0x1F;
	s26 =	sshrl.u32 s22, $0x1F  }
0xa6: {  	v3 =	vsel vm4, s28, v3;
	(v2sf) =	vpush v5, $0x7;
	s28 =	sshrl.u32 s25, $0x1F;
	v12 =	vsel vm2, s7, v12;
	s7 =	sshrl.u32 s7, $0x1F;
	s8 =	smul.u32 $0x55555556, s15  }
0xa7: {  	v9 =	vtrunc.f32 v38;
	v6 =	vsel vm4, s3, v6;
	v3 =	vsel vm5, s4, v3;
	s15 =	sadd.s32 s6, s13;
	s13 =	rddreg [dreg:$0x16];
	s3 =	sshrl.u32 s14, $0x1F  }
0xa8: {  	v48 =	vnsel vm3, $0x0, v16;
	s4 =	sshrl.u32 s11, $0x1F;
	s6 =	sshrl.u32 s12, $0x1F;
	s9 =	sadd.s32 s17, s16;
	v40 =	vsel vm6, s13, v3;
	v3 =	vcvt.f32.s32 v9  }
0xa9: {  	v43 =	vmov s19;
	v8 =	vcombine.low v13, v36;
	v6 =	vsel vm5, s2, v6;
	s16 =	sshrl.u32 s13, $0x1F;
	s17 =	sshrl.u32 s29, $0x1F;
	s13 =	spop (v2sf)  }
0xaa: {  	v11 =	vperm.xlane v11, v0;
	s31 =	sadd.s32 s8, s31;
	v6 =	vsel vm6, s16, v6;
	s16 =	smulhi.u32 $0x55555556, s13;
	s2 =	sshra.s32 s13, $0x1F;
	(v2sf) =	vpush v3, $0xD  }
0xab: {  	v25 =	vld [tilespmem:s24+$0x1900];
	v8 =	vperm.xlane v8, v0;
	v44 =	vmov s28;
	v9 =	vsel vm0, s22, v41;
	s8 =	sshrl.u32 s19, $0x1F;
	s22 =	spop (v2sf);
	s19 =	smul.u32 $0x55555556, s2  }
0xac: {  	v10 =	vsel vm0, s26, v44;
	v15 =	vsel vm7, s17, v6;
	s17 =	rddreg [dreg:$0x15];
	s25 =	smulhi.u32 $0x55555556, s22;
	s2 =	sshra.s32 s22, $0x1F;
	(v2sf) =	vpush v3, $0xC  }
0xad: {  	v14 =	vsel vm7, s29, v40;
	s29 =	sshrl.u32 s18, $0x1F;
	v42 =	vsel vm1, s18, v9;
	v9 =	vsel vm0, s14, v43;
	s26 =	smul.u32 $0x55555556, s2;
	s28 =	spop (v2sf)  }
0xae: {  	v9 =	vsel vm1, s11, v9;
	v10 =	vsel vm1, s29, v10;
	s18 =	sshrl.u32 s17, $0x1F;
	(v2sf) =	vpush v3, $0xE;
	s2 =	sadd.s32 s19, s16;
	s29 =	smulhi.u32 $0x55555556, s28  }
0xaf: {  	v46 =	vperm.xlane v14, v1;
	v49 =	vmov s8;
	v10 =	vsel vm2, s18, v10;
	s14 =	sshra.s32 s28, $0x1F;
	s18 =	sshrl.u32 s1, $0x1F;
	s28 =	rddreg [dreg:$0x13]  }
0xb0: {  	v14 =	vmul.f32 $7.812500000e-03, v25;
	v6 =	vsel vm2, s17, v42;
	(v2sf) =	vpush v3, $0xF;
	s0 =	sadd.s32 s26, s25;
	s16 =	smul.u32 $0x55555556, s14;
	s17 =	spop (v2sf)  }
0xb1: {  	v9 =	vsel vm2, s12, v9;
	v47 =	vperm.xlane v15, v1;
	v15 =	vsel vm0, s10, v48;
	s26 =	rddreg [dreg:$0x14];
	s13 =	smulhi.u32 $0x55555556, s17;
	s12 =	sshra.s32 s17, $0x1F  }
0xb2: {  	v53 =	vsel vm0, s3, v49;
	s14 =	sshrl.u32 s28, $0x1F;
	v17 =	vmov s2;
	(v2sf) =	vpush v3, $0x9;
	s12 =	smul.u32 $0x55555556, s12;
	s19 =	spop (v2sf)  }
0xb3: {  	v11 =	vsel vm8, v46, v11;
	v8 =	vsel vm8, v47, v8;
	s11 =	sshrl.u32 s26, $0x1F;
	v17 =	vnsel vm3, $0x0, v17;
	s5 =	smulhi.u32 $0x55555556, s19;
	s22 =	sshra.s32 s19, $0x1F  }
0xb4: {  	v51 =	vsel vm1, s18, v15;
	s1 =	sadd.s32 s16, s29;
	v37 =	vsel vm0, s31, v17;
	(v2sf) =	vpush v3, $0x8;
	s25 =	spop (v2sf);
	s10 =	smul.u32 $0x55555556, s22  }
0xb5: {  	v8 =	vadd.s32 v8, v11;
	v50 =	vsel vm4, s26, v12;
	v19 =	vsel vm1, s0, v37;
	s16 =	smulhi.u32 $0x55555556, s25;
	s8 =	sshra.s32 s25, $0x1F;
	s29 =	spop (v2sf)  }
0xb6: {  	v23 =	vld [tilespmem:s24+$0xC80];
	v11 =	vsel vm5, s28, v50;
	v42 =	vsel vm2, s1, v19;
	s1 =	sshrl.u32 s1, $0x1F;
	(v2sf) =	vpush v3, $0xA;
	s25 =	rddreg [dreg:$0x12];
	s17 =	smul.u32 $0x55555556, s8  }
0xb7: {  	v57 =	vsel vm1, s4, v53;
	v15 =	vsel vm2, s7, v51;
	s8 =	sadd.s32 s12, s13;
	s19 =	smulhi.u32 $0x55555556, s29;
	s22 =	sshra.s32 s29, $0x1F;
	v55 =	vsel vm6, s25, v11  }
0xb8: {  	v44 =	vld [tilespmem:s24+$0x2580];
	v58 =	vsel vm4, s11, v15;
	(v2sf) =	vpush v3, $0xB;
	s26 =	sshrl.u32 s25, $0x1F;
	s28 =	smul.u32 $0x55555556, s22;
	v56 =	vsel vm7, s21, v55;
	s21 =	sshrl.u32 s21, $0x1F  }
0xb9: {  	v26 =	vcombine.low v9, v6;
	v60 =	vsel vm2, s6, v57;
	v11 =	vsel vm5, s14, v58;
	s18 =	sadd.s32 s10, s5;
	s22 =	rddreg [dreg:$0xf];
	s29 =	spop (v2sf)  }
0xba: {  	v51 =	vld [tilespmem:s24+$0xC90];
	v52 =	vmul.u32 $0xFFFFFFFD, v8;
	(v2sf) =	vpush v3, $0x1;
	v61 =	vsel vm6, s26, v11;
	s26 =	rddreg [dreg:$0x10];
	s3 =	smulhi.u32 $0x55555556, s29;
	s12 =	sshra.s32 s29, $0x1F  }
0xbb: {  	v35 =	vmov s23;
	v9 =	vmul.f32 $7.812500000e-03, v23;
	v10 =	vcombine.low v60, v10;
	s13 =	sadd.s32 s28, s19;
	s11 =	spop (v2sf);
	s5 =	smul.u32 $0x55555556, s12  }
0xbc: {  	v46 =	vperm.xlane v26, v0;
	v54 =	vadd.s32 v4, v52;
	s19 =	rddreg [dreg:$0x11];
	(v2sf) =	vpush v3, $0x0;
	s4 =	smulhi.u32 $0x55555556, s11;
	s10 =	sshra.s32 s11, $0x1F  }
0xbd: {  	v47 =	vperm.xlane v10, v0;
	v10 =	vmul.f32 $7.812500000e-03, v44;
	vm10 =	vne.s32 v54, $0x0;
	s12 =	sadd.s32 s17, s16;
	s17 =	spop (v2sf);
	s6 =	smul.u32 $0x55555556, s10  }
0xbe: {  	v24 =	vadd.s32 $0x3, v54;
	s14 =	sshrl.u32 s22, $0x1F;
	v32 =	vmov s19;
	(v2sf) =	vpush v3, $0x2;
	s7 =	smulhi.u32 $0x55555556, s17;
	s10 =	sshra.s32 s17, $0x1F  }
0xbf: {  	vm9 =	vmand vm9, vm10;
	v15 =	vmul.f32 $7.812500000e-03, v51;
	s28 =	sshrl.u32 s26, $0x1F;
	v4 =	vsel vm0, s22, v32;
	s25 =	spop (v2sf);
	s11 =	smul.u32 $0x55555556, s10  }
0xc0: {  	v63 =	vsel vm7, s21, v61;
	s21 =	sshrl.u32 s19, $0x1F;
	v4 =	vsel vm1, s26, v4;
	(v2sf) =	vpush v3, $0x3;
	s10 =	smulhi.u32 $0x55555556, s25;
	s16 =	sshra.s32 s25, $0x1F  }
0xc1: {  	v59 =	vsel vm9, $0xFFFFFFFF, v2;
	vm9 =	vlt.s32 v54, $0x0;
	s29 =	sshrl.u32 s30, $0x1F;
	v34 =	vsel vm2, s30, v4;
	s16 =	smul.u32 $0x55555556, s16;
	s30 =	spop (v2sf)  }
0xc2: {  	v36 =	vld [tilespmem:s24+$0x3EC0];
	v62 =	vadd.s32 v59, v8;
	v33 =	vmov s21;
	s21 =	sshrl.u32 s23, $0x1F;
	(v2sf) =	vpush v3, $0x4;
	s17 =	smulhi.u32 $0x55555556, s30;
	s19 =	sshra.s32 s30, $0x1F  }
0xc3: {  	v19 =	vsel vm4, s8, v42;
	s22 =	sshrl.u32 s20, $0x1F;
	v8 =	vsel vm0, s14, v33;
	v4 =	vsel vm0, s20, v35;
	s20 =	smul.u32 $0x55555556, s19;
	s23 =	spop (v2sf)  }
0xc4: {  	v50 =	vld [tilespmem:s24+$0x10];
	v18 =	vmov s21;
	v8 =	vsel vm1, s28, v8;
	s25 =	sshrl.u32 s2, $0x1F;
	(v2sf) =	vpush v3, $0x5;
	s19 =	smulhi.u32 $0x55555556, s23;
	s14 =	sshra.s32 s23, $0x1F  }
0xc5: {  	v18 =	vsel vm0, s22, v18;
	v20 =	vsel vm2, s29, v8;
	v4 =	vsel vm1, s15, v4;
	s15 =	sshrl.u32 s15, $0x1F;
	s26 =	spop (v2sf);
	s2 =	smul.u32 $0x55555556, s14  }
0xc6: {  	s8 =	sshrl.u32 s8, $0x1F;
	v40 =	vmov s25;
	v38 =	vsel vm1, s15, v18;
	(v2sf) =	vpush v3, $0x6;
	s15 =	smulhi.u32 $0x55555556, s26;
	s14 =	sshra.s32 s26, $0x1F  }
0xc7: {  	s28 =	sshrl.u32 s31, $0x1F;
	v8 =	vtrunc.f32 v36;
	v22 =	vsel vm2, s9, v4;
	v4 =	vnsel vm3, $0x0, v40;
	s29 =	spop (v2sf);
	s14 =	smul.u32 $0x55555556, s14  }
0xc8: {  	v41 =	vsel vm0, s28, v4;
	s30 =	sshrl.u32 s0, $0x1F;
	v4 =	vcvt.f32.s32 v8;
	(v2sf) =	vpush v3, $0x7;
	s0 =	smulhi.u32 $0x55555556, s29;
	s21 =	sshra.s32 s29, $0x1F  }
0xc9: {  	v6 =	vld [tilespmem:s24+$0x3200];
	v16 =	vmul.f32 $7.812500000e-03, v50;
	v43 =	vsel vm5, s18, v19;
	s9 =	sshrl.u32 s9, $0x1F;
	v17 =	vsel vm1, s30, v41;
	s31 =	spop (v2sf);
	s21 =	smul.u32 $0x55555556, s21  }
0xca: {  	s18 =	sshrl.u32 s18, $0x1F;
	v21 =	vsel vm2, s9, v38;
	v17 =	vsel vm2, s1, v17;
	(v2sf) =	vpush v4, $0xD;
	s1 =	smulhi.u32 $0x55555556, s31;
	s9 =	sshra.s32 s31, $0x1F  }
0xcb: {  	v45 =	vsel vm9, v24, v54;
	v13 =	vperm.xlane v56, v1;
	s25 =	sshrl.u32 s12, $0x1F;
	v17 =	vsel vm4, s8, v17;
	s22 =	smul.u32 $0x55555556, s9;
	s23 =	spop (v2sf)  }
0xcc: {  	vm9 =	veq.s32 v62, $0x0;
	s4 =	sadd.s32 s6, s4;
	v17 =	vsel vm5, s18, v17;
	(v2sf) =	vpush v4, $0xC;
	s18 =	smulhi.u32 $0x55555556, s23;
	s26 =	sshra.s32 s23, $0x1F  }
0xcd: {  	vm10 =	veq.s32 v62, $0x2;
	v48 =	vperm.xlane v63, v1;
	v12 =	vsel vm8, v13, v46;
	s6 =	sadd.s32 s11, s7;
	s28 =	spop (v2sf);
	s23 =	smul.u32 $0x55555556, s26  }
0xce: {  	v13 =	vnsel vm9, $0x0, v6;
	vm9 =	veq.s32 v62, $0x1;
	s8 =	sadd.s32 s5, s3;
	(v2sf) =	vpush v4, $0xE;
	s3 =	smulhi.u32 $0x55555556, s28;
	s29 =	sshra.s32 s28, $0x1F  }
0xcf: {  	v39 =	vld [tilespmem:s24+$0x0];
	v18 =	vsel vm6, s12, v43;
	v57 =	vmov s4;
	s12 =	sadd.s32 s16, s10;
	v28 =	vsel vm6, s25, v17;
	s30 =	spop (v2sf);
	s25 =	smul.u32 $0x55555556, s29  }
0xd0: {  	v27 =	vsel vm7, s13, v18;
	v58 =	vsel vm0, s8, v57;
	s8 =	sshrl.u32 s8, $0x1F;
	(v2sf) =	vpush v4, $0xF;
	s26 =	smulhi.u32 $0x55555556, s30;
	s5 =	sshra.s32 s30, $0x1F  }
0xd1: {  	v18 =	vnsel vm9, $0x0, v6;
	vm9 =	veq.s32 v45, $0x0;
	v22 =	vcombine.low v22, v34;
	s9 =	sshrl.u32 s13, $0x1F;
	s31 =	spop (v2sf);
	s16 =	smul.u32 $0x55555556, s5  }
0xd2: {  	v11 =	vnsel vm9, $0x0, v6;
	v27 =	vperm.xlane v27, v1;
	(v2sf) =	vpush v4, $0x9;
	s5 =	sadd.s32 s20, s17;
	s17 =	smulhi.u32 $0x55555556, s31;
	s7 =	sshra.s32 s31, $0x1F  }
0xd3: {  	vm9 =	veq.s32 v45, $0x1;
	v21 =	vcombine.low v21, v20;
	v56 =	vperm.xlane v22, v0;
	s13 =	sadd.s32 s2, s19;
	s10 =	spop (v2sf);
	s2 =	smul.u32 $0x55555556, s7  }
0xd4: {  	v30 =	vld [tilespmem:s24+$0x1910];
	v8 =	vmul.f32 $7.812500000e-03, v39;
	v19 =	vnsel vm9, $0x0, v6;
	s11 =	sadd.s32 s14, s15;
	(v2sf) =	vpush v4, $0x8;
	s15 =	smulhi.u32 $0x55555556, s10;
	s7 =	sshra.s32 s10, $0x1F  }
0xd5: {  	v34 =	vperm.xlane v21, v0;
	v27 =	vsel vm8, v27, v56;
	v17 =	vsel vm8, v48, v47;
	s10 =	sadd.s32 s21, s0;
	s21 =	spop (v2sf);
	s20 =	smul.u32 $0x55555556, s7  }
0xd6: {  	v20 =	vsel vm1, s6, v58;
	v49 =	vadd.s32 v17, v12;
	(v2sf) =	vpush v4, $0xA;
	s7 =	sadd.s32 s22, s1;
	s22 =	smulhi.u32 $0x55555556, s21;
	s0 =	sshra.s32 s21, $0x1F  }
0xd7: {  	v41 =	vld [tilespmem:s24+$0xCA0];
	v12 =	vnsel vm10, $0x0, v6;
	vm10 =	vlt.s32 v7, $0x1;
	v17 =	vmul.u32 $0xFFFFFFFD, v49;
	s19 =	sadd.s32 s25, s3;
	s28 =	smul.u32 $0x55555556, s0;
	s29 =	spop (v2sf)  }
0xd8: {  	v48 =	vld [tilespmem:s24+$0x20];
	v60 =	vsel vm2, s12, v20;
	v28 =	vsel vm7, s9, v28;
	s21 =	sadd.s32 s23, s18;
	(v2sf) =	vpush v4, $0xB;
	s30 =	smulhi.u32 $0x55555556, s29;
	s0 =	sshra.s32 s29, $0x1F  }
0xd9: {  	v61 =	vmov s13;
	v29 =	vadd.s32 v7, v17;
	v7 =	vmul.f32 $7.812500000e-03, v30;
	s16 =	sadd.s32 s16, s26;
	s23 =	spop (v2sf);
	s31 =	smul.u32 $0x55555556, s0  }
0xda: {  	v28 =	vperm.xlane v28, v1;
	vm11 =	vne.s32 v29, $0x0;
	s17 =	sadd.s32 s2, s17;
	(v2sf) =	vpush v4, $0x1;
	s0 =	smulhi.u32 $0x55555556, s23;
	s25 =	sshra.s32 s23, $0x1F  }
0xdb: {  	vm9 =	vlt.s32 v29, $0x0;
	v54 =	vadd.s32 $0x3, v29;
	vm10 =	vmand vm10, vm11;
	s18 =	sadd.s32 s20, s15;
	s2 =	smul.u32 $0x55555556, s25;
	s26 =	spop (v2sf)  }
0xdc: {  	vm11 =	veq.s32 v45, $0x2;
	v55 =	vsel vm9, v54, v29;
	s14 =	sadd.s32 s28, s22;
	(v2sf) =	vpush v4, $0x0;
	s1 =	smulhi.u32 $0x55555556, s26;
	s28 =	sshra.s32 s26, $0x1F  }
0xdd: {  	v28 =	vsel vm8, v28, v34;
	v34 =	vmul.f32 $7.812500000e-03, v48;
	v29 =	vmul.f32 $7.812500000e-03, v41;
	s15 =	sadd.s32 s31, s30;
	s29 =	spop (v2sf);
	s3 =	smul.u32 $0x55555556, s28  }
0xde: {  	v17 =	vnsel vm11, $0x0, v6;
	v52 =	vsel vm10, $0xFFFFFFFF, v2;
	s30 =	sshrl.u32 s4, $0x1F;
	(v2sf) =	vpush v4, $0x2;
	s4 =	smulhi.u32 $0x55555556, s29;
	s20 =	sshra.s32 s29, $0x1F  }
0xdf: {  	v28 =	vadd.s32 v28, v27;
	v62 =	vsel vm0, s5, v61;
	s5 =	sshrl.u32 s5, $0x1F;
	v43 =	vmov s21;
	s31 =	spop (v2sf);
	s9 =	smul.u32 $0x55555556, s20  }
0xe0: {  	v53 =	vadd.s32 v52, v49;
	v30 =	vnsel vm3, $0x0, v43;
	s22 =	sshrl.u32 s6, $0x1F;
	(v2sf) =	vpush v4, $0x3;
	s6 =	smulhi.u32 $0x55555556, s31;
	s20 =	sshra.s32 s31, $0x1F  }
0xe1: {  	v47 =	vmul.u32 $0xFFFFFFFD, v28;
	vm9 =	veq.s32 v53, $0x0;
	v30 =	vsel vm0, s7, v30;
	s23 =	sshrl.u32 s12, $0x1F;
	s25 =	spop (v2sf);
	s12 =	smul.u32 $0x55555556, s20  }
0xe2: {  	v42 =	vld [tilespmem:s24+$0x3ED0];
	v26 =	vsel vm1, s11, v62;
	v30 =	vsel vm1, s19, v30;
	s26 =	sshrl.u32 s13, $0x1F;
	(v2sf) =	vpush v4, $0x4;
	s13 =	smulhi.u32 $0x55555556, s25;
	s20 =	sshra.s32 s25, $0x1F  }
0xe3: {  	v26 =	vsel vm2, s10, v26;
	v44 =	vsel vm2, s16, v30;
	v59 =	vmov s30;
	s30 =	sshrl.u32 s21, $0x1F;
	s28 =	spop (v2sf);
	s20 =	smul.u32 $0x55555556, s20  }
0xe4: {  	v22 =	vsel vm0, s8, v59;
	v31 =	vmov s26;
	s29 =	sshrl.u32 s11, $0x1F;
	(v2sf) =	vpush v4, $0x5;
	s11 =	smulhi.u32 $0x55555556, s28;
	s8 =	sshra.s32 s28, $0x1F  }
0xe5: {  	s10 =	sshrl.u32 s10, $0x1F;
	v32 =	vmov s30;
	v22 =	vsel vm1, s22, v22;
	v31 =	vsel vm0, s5, v31;
	s31 =	spop (v2sf);
	s22 =	smul.u32 $0x55555556, s8  }
0xe6: {  	s7 =	sshrl.u32 s7, $0x1F;
	v32 =	vnsel vm3, $0x0, v32;
	v31 =	vsel vm1, s29, v31;
	(v2sf) =	vpush v4, $0x6;
	s21 =	smulhi.u32 $0x55555556, s31;
	s8 =	sshra.s32 s31, $0x1F  }
0xe7: {  	s30 =	sshrl.u32 s18, $0x1F;
	v63 =	vsel vm2, s23, v22;
	v22 =	vtrunc.f32 v42;
	v31 =	vsel vm2, s10, v31;
	s23 =	smul.u32 $0x55555556, s8;
	s10 =	spop (v2sf)  }
0xe8: {  	v32 =	vsel vm0, s7, v32;
	v22 =	vcvt.f32.s32 v22;
	s25 =	sshrl.u32 s19, $0x1F;
	(v2sf) =	vpush v4, $0x7;
	s19 =	smulhi.u32 $0x55555556, s10;
	s5 =	sshra.s32 s10, $0x1F  }
0xe9: {  	vm10 =	veq.s32 v53, $0x1;
	v21 =	vsel vm4, s17, v44;
	s26 =	sshrl.u32 s16, $0x1F;
	v45 =	vsel vm1, s25, v32;
	s28 =	spop (v2sf);
	s16 =	smul.u32 $0x55555556, s5  }
0xea: {  	v46 =	vsel vm5, s18, v21;
	v21 =	vld [tilespmem:s24+$0x3210];
	s29 =	sshrl.u32 s17, $0x1F;
	v30 =	vsel vm2, s26, v45;
	(v2sf) =	vpush v22, $0xD;
	s17 =	smulhi.u32 $0x55555556, s28;
	s5 =	sshra.s32 s28, $0x1F  }
0xeb: {  	vm11 =	veq.s32 v53, $0x2;
	v26 =	vcombine.low v26, v60;
	s3 =	sadd.s32 s3, s1;
	v30 =	vsel vm4, s29, v30;
	s18 =	smul.u32 $0x55555556, s5;
	s31 =	spop (v2sf)  }
0xec: {  	v32 =	vsel vm6, s14, v46;
	s8 =	sshrl.u32 s14, $0x1F;
	v35 =	vsel vm5, s30, v30;
	(v2sf) =	vpush v22, $0xC;
	s14 =	smulhi.u32 $0x55555556, s31;
	s5 =	sshra.s32 s31, $0x1F  }
0xed: {  	v33 =	vld [tilespmem:s24+$0x2590];
	v25 =	vadd.s32 v5, v47;
	v39 =	vsel vm7, s15, v32;
	v40 =	vsel vm6, s8, v35;
	s8 =	sshrl.u32 s15, $0x1F;
	s10 =	spop (v2sf);
	s15 =	smul.u32 $0x55555556, s5  }
0xee: {  	v50 =	vadd.s32 $0x3, v25;
	v51 =	vperm.xlane v26, v0;
	(v2sf) =	vpush v22, $0xE;
	s5 =	sadd.s32 s2, s0;
	s0 =	smulhi.u32 $0x55555556, s10;
	s25 =	sshra.s32 s10, $0x1F  }
0xef: {  	v36 =	vnsel vm9, $0x0, v21;
	v27 =	vnsel vm11, $0x0, v21;
	vm9 =	veq.s32 v55, $0x0;
	s12 =	sadd.s32 s12, s6;
	s28 =	spop (v2sf);
	s26 =	smul.u32 $0x55555556, s25  }
0xf0: {  	vm11 =	veq.s32 v55, $0x1;
	v53 =	vmov s3;
	(v2sf) =	vpush v22, $0xF;
	s10 =	sadd.s32 s9, s4;
	s4 =	smulhi.u32 $0x55555556, s28;
	s2 =	sshra.s32 s28, $0x1F  }
0xf1: {  	v32 =	vnsel vm9, $0x0, v21;
	vm9 =	vlt.s32 v5, $0x1;
	v20 =	vcombine.low v31, v63;
	s7 =	sadd.s32 s20, s13;
	s29 =	spop (v2sf);
	s2 =	smul.u32 $0x55555556, s2  }
0xf2: {  	v39 =	vperm.xlane v39, v1;
	v30 =	vmul.f32 $7.812500000e-03, v33;
	s20 =	sadd.s32 s22, s11;
	(v2sf) =	vpush v22, $0x9;
	s25 =	smulhi.u32 $0x55555556, s29;
	s6 =	sshra.s32 s29, $0x1F  }
0xf3: {  	v58 =	vld [tilespmem:s24+$0x3EE0];
	v33 =	vnsel vm10, $0x0, v21;
	vm10 =	vne.s32 v25, $0x0;
	v20 =	vperm.xlane v20, v0;
	s13 =	sadd.s32 s23, s21;
	s30 =	spop (v2sf);
	s6 =	smul.u32 $0x55555556, s6  }
0xf4: {  	v46 =	vld [tilespmem:s24+$0x30];
	vm9 =	vmand vm9, vm10;
	v35 =	vnsel vm11, $0x0, v21;
	s11 =	sadd.s32 s16, s19;
	(v2sf) =	vpush v22, $0x8;
	s22 =	smulhi.u32 $0x55555556, s30;
	s9 =	sshra.s32 s30, $0x1F  }
0xf5: {  	v42 =	vld [tilespmem:s24+$0x1920];
	vm10 =	veq.s32 v55, $0x2;
	v41 =	vsel vm8, v39, v51;
	v55 =	vmov s20;
	s21 =	sadd.s32 s15, s14;
	s31 =	spop (v2sf);
	s16 =	smul.u32 $0x55555556, s9  }
0xf6: {  	v43 =	vld [tilespmem:s24+$0x25A0];
	v49 =	vsel vm9, $0xFFFFFFFF, v2;
	v39 =	vsel vm0, s5, v53;
	(v2sf) =	vpush v22, $0xA;
	s9 =	sadd.s32 s18, s17;
	s17 =	smulhi.u32 $0x55555556, s31;
	s19 =	sshra.s32 s31, $0x1F  }
0xf7: {  	v5 =	vld [tilespmem:s24+$0x3220];
	vm9 =	vlt.s32 v25, $0x0;
	v37 =	vnsel vm10, $0x0, v21;
	v39 =	vsel vm1, s10, v39;
	s10 =	sshrl.u32 s10, $0x1F;
	s23 =	spop (v2sf);
	s18 =	smul.u32 $0x55555556, s19  }
0xf8: {  	v52 =	vsel vm7, s8, v40;
	v56 =	vsel vm0, s7, v55;
	s14 =	sadd.s32 s26, s0;
	(v2sf) =	vpush v22, $0xB;
	s26 =	smulhi.u32 $0x55555556, s23;
	s28 =	sshra.s32 s23, $0x1F  }
0xf9: {  	vm10 =	vlt.s32 v3, $0x1;
	v46 =	vmul.f32 $7.812500000e-03, v46;
	v24 =	vadd.s32 v49, v28;
	s19 =	sadd.s32 s2, s4;
	s30 =	spop (v2sf);
	s29 =	smul.u32 $0x55555556, s28  }
0xfa: {  	v38 =	vsel vm9, v50, v25;
	v25 =	vmul.f32 $7.812500000e-03, v42;
	(v2sf) =	vpush v22, $0x1;
	s15 =	sadd.s32 s6, s25;
	s0 =	smulhi.u32 $0x55555556, s30;
	s1 =	sshra.s32 s30, $0x1F  }
0xfb: {  	v28 =	vmul.f32 $7.812500000e-03, v43;
	v31 =	vperm.xlane v52, v1;
	vm9 =	veq.s32 v24, $0x0;
	s23 =	sshrl.u32 s3, $0x1F;
	s31 =	spop (v2sf);
	s2 =	smul.u32 $0x55555556, s1  }
0xfc: {  	v43 =	vtrunc.f32 v58;
	v23 =	vnsel vm9, $0x0, v5;
	s25 =	sshrl.u32 s5, $0x1F;
	(v2sf) =	vpush v22, $0x0;
	s1 =	smulhi.u32 $0x55555556, s31;
	s6 =	sshra.s32 s31, $0x1F  }
0xfd: {  	vm9 =	veq.s32 v24, $0x1;
	v31 =	vsel vm8, v31, v20;
	v20 =	vsel vm1, s13, v56;
	s16 =	sadd.s32 s16, s22;
	s22 =	spop (v2sf);
	s4 =	smul.u32 $0x55555556, s6  }
0xfe: {  	v26 =	vnsel vm9, $0x0, v5;
	vm9 =	veq.s32 v24, $0x2;
	s17 =	sadd.s32 s18, s17;
	(v2sf) =	vpush v22, $0x2;
	s3 =	smulhi.u32 $0x55555556, s22;
	s6 =	sshra.s32 s22, $0x1F  }
0xff: {  	v48 =	vsel vm2, s11, v20;
	v41 =	vadd.s32 v31, v41;
	v54 =	vmov s23;
	s18 =	sadd.s32 s29, s26;
	s5 =	smul.u32 $0x55555556, s6;
	s26 =	spop (v2sf)  }
0x100: {  	v39 =	vsel vm2, s12, v39;
	s12 =	sshrl.u32 s12, $0x1F;
	v40 =	vsel vm0, s25, v54;
	(v2sf) =	vpush v22, $0x3;
	s6 =	smulhi.u32 $0x55555556, s26;
	s8 =	sshra.s32 s26, $0x1F  }
0x101: {  	[tilespmem:s24+$0x7090] =	vst v30;
	v30 =	vld [tilespmem:s24+$0x40];
	v24 =	vnsel vm9, $0x0, v5;
	v59 =	vmov s21;
	s21 =	sshrl.u32 s21, $0x1F;
	v40 =	vsel vm1, s10, v40;
	s28 =	spop (v2sf);
	s10 =	smul.u32 $0x55555556, s8  }
0x102: {  	v63 =	vmul.u32 $0xFFFFFFFD, v41;
	vm9 =	veq.s32 v38, $0x0;
	s29 =	sshrl.u32 s20, $0x1F;
	(v2sf) =	vpush v22, $0x4;
	s8 =	smulhi.u32 $0x55555556, s28;
	s30 =	sshra.s32 s28, $0x1F  }
0x103: {  	v20 =	vnsel vm3, $0x0, v59;
	v44 =	vmov s21;
	s31 =	sshrl.u32 s7, $0x1F;
	v57 =	vmov s29;
	s23 =	spop (v2sf);
	s7 =	smul.u32 $0x55555556, s30  }
0x104: {  	s13 =	sshrl.u32 s13, $0x1F;
	v20 =	vsel vm0, s9, v20;
	v40 =	vsel vm2, s12, v40;
	v42 =	vsel vm0, s31, v57;
	s12 =	smulhi.u32 $0x55555556, s23;
	s20 =	sshra.s32 s23, $0x1F  }
0x105: {  	v20 =	vsel vm1, s14, v20;
	s31 =	sshrl.u32 s19, $0x1F;
	v42 =	vsel vm1, s13, v42;
	(v2sf) =	vpush v22, $0x5;
	s25 =	spop (v2sf);
	s13 =	smul.u32 $0x55555556, s20  }
0x106: {  	[tilespmem:s24+$0x7D00] =	vst v13;
	v13 =	vmul.f32 $7.812500000e-03, v30;
	v60 =	vnsel vm3, $0x0, v44;
	v20 =	vsel vm2, s19, v20;
	s26 =	sshrl.u32 s11, $0x1F;
	s11 =	smulhi.u32 $0x55555556, s25;
	s20 =	sshra.s32 s25, $0x1F  }
0x107: {  	v61 =	vsel vm4, s15, v20;
	v20 =	vcvt.f32.s32 v43;
	s28 =	sshrl.u32 s9, $0x1F;
	(v2sf) =	vpush v22, $0x6;
	s29 =	spop (v2sf);
	s9 =	smul.u32 $0x55555556, s20  }
0x108: {  	v43 =	vadd.s32 v3, v63;
	v49 =	vsel vm2, s26, v42;
	v42 =	vsel vm0, s28, v60;
	s30 =	sshrl.u32 s14, $0x1F;
	s14 =	smulhi.u32 $0x55555556, s29;
	s20 =	sshra.s32 s29, $0x1F  }
0x109: {  	v62 =	vsel vm5, s16, v61;
	s1 =	sadd.s32 s4, s1;
	(v2sf) =	vpush v22, $0x7;
	v42 =	vsel vm1, s30, v42;
	s22 =	spop (v2sf);
	s19 =	smul.u32 $0x55555556, s20  }
0x10a: {  	vm11 =	vne.s32 v43, $0x0;
	v47 =	vadd.s32 $0x3, v43;
	s23 =	sshrl.u32 s15, $0x1F;
	v42 =	vsel vm2, s31, v42;
	s15 =	smulhi.u32 $0x55555556, s22;
	s20 =	sshra.s32 s22, $0x1F  }
0x10b: {  	v31 =	vsel vm6, s17, v62;
	vm10 =	vmand vm10, vm11;
	s25 =	sshrl.u32 s16, $0x1F;
	v42 =	vsel vm4, s23, v42;
	s16 =	smul.u32 $0x55555556, s20;
	s26 =	spop (v2sf)  }
0x10c: {  	v50 =	vsel vm7, s18, v31;
	s28 =	sshrl.u32 s17, $0x1F;
	(v2sf) =	vpush v20, $0xD;
	v42 =	vsel vm5, s25, v42;
	s17 =	smulhi.u32 $0x55555556, s26;
	s20 =	sshra.s32 s26, $0x1F  }
0x10d: {  	s18 =	sshrl.u32 s18, $0x1F;
	v3 =	vsel vm10, $0xFFFFFFFF, v2;
	(v2sf) =	vpush v20, $0xC;
	v42 =	vsel vm6, s28, v42;
	s29 =	spop (v2sf);
	s20 =	smul.u32 $0x55555556, s20  }
0x10e: {  	s0 =	sadd.s32 s2, s0;
	v55 =	vmov s1;
	(v2sf) =	vpush v20, $0xE;
	v51 =	vsel vm7, s18, v42;
	s18 =	smulhi.u32 $0x55555556, s29;
	s21 =	sshra.s32 s29, $0x1F  }
0x10f: {  	v52 =	vld [tilespmem:s24+$0xCB0];
	s2 =	sadd.s32 s5, s3;
	v3 =	vadd.s32 v3, v41;
	v53 =	vperm.xlane v50, v1;
	(v2sf) =	vpush v20, $0xF;
	s30 =	spop (v2sf);
	s21 =	smul.u32 $0x55555556, s21  }
0x110: {  	v31 =	vld [tilespmem:s24+$0x3230];
	s3 =	sadd.s32 s10, s6;
	v42 =	vnsel vm9, $0x0, v5;
	vm9 =	veq.s32 v38, $0x1;
	(v2sf) =	vpush v20, $0x9;
	s22 =	smulhi.u32 $0x55555556, s30;
	s31 =	sshra.s32 s30, $0x1F  }
0x111: {  	s4 =	sadd.s32 s7, s8;
	v45 =	vnsel vm9, $0x0, v5;
	vm9 =	veq.s32 v38, $0x2;
	s5 =	spop (v2sf);
	(v2sf) =	vpush v20, $0x8;
	s23 =	smul.u32 $0x55555556, s31  }
0x112: {  	v54 =	vperm.xlane v51, v1;
	v44 =	vnsel vm9, $0x0, v5;
	s25 =	smulhi.u32 $0x55555556, s5;
	s6 =	sshra.s32 s5, $0x1F;
	vm9 =	vlt.s32 v43, $0x0;
	s5 =	sadd.s32 s9, s11  }
0x113: {  	s9 =	sadd.s32 s16, s15;
	s17 =	sadd.s32 s20, s17;
	(v2sf) =	vpush v20, $0xA;
	s16 =	sshrl.u32 s2, $0x1F;
	v47 =	vsel vm9, v47, v43;
	vm9 =	veq.s32 v3, $0x0  }
0x114: {  	s8 =	smul.u32 $0x55555556, s6;
	s6 =	sadd.s32 s13, s12;
	v43 =	vmul.f32 $7.812500000e-03, v52;
	v52 =	vcombine.low v48, v39;
	v57 =	vmov s17;
	s7 =	spop (v2sf)  }
0x115: {  	s15 =	sadd.s32 s21, s18;
	v38 =	vnsel vm9, $0x0, v31;
	vm9 =	veq.s32 v3, $0x1;
	vm10 =	veq.s32 v47, $0x0;
	s13 =	smulhi.u32 $0x55555556, s7;
	s10 =	sshra.s32 s7, $0x1F  }
0x116: {  	s21 =	sshrl.u32 s4, $0x1F;
	v58 =	vmov s6;
	v50 =	vnsel vm3, $0x0, v57;
	v39 =	vnsel vm9, $0x0, v31;
	s12 =	spop (v2sf);
	s11 =	smul.u32 $0x55555556, s10  }
0x117: {  	vm9 =	veq.s32 v3, $0x2;
	v3 =	vcombine.low v49, v40;
	v50 =	vsel vm0, s9, v50;
	s9 =	sshrl.u32 s9, $0x1F;
	s7 =	sadd.s32 s19, s14;
	s26 =	smulhi.u32 $0x55555556, s12  }
0x118: {  	v48 =	vperm.xlane v52, v0;
	v40 =	vnsel vm10, $0x0, v31;
	v51 =	vsel vm0, s4, v58;
	s28 =	sshra.s32 s12, $0x1F;
	s30 =	spop (v2sf);
	s10 =	sadd.s32 s23, s22  }
0x119: {  	vm10 =	vlt.s32 v4, $0x1;
	v41 =	vnsel vm9, $0x0, v31;
	v3 =	vperm.xlane v3, v0;
	s12 =	sadd.s32 s8, s25;
	s8 =	sshrl.u32 s0, $0x1F;
	s29 =	smul.u32 $0x55555556, s28  }
0x11a: {  	v51 =	vsel vm1, s5, v51;
	v50 =	vsel vm1, s15, v50;
	(v2sf) =	vpush v20, $0xB;
	s22 =	sshrl.u32 s6, $0x1F;
	s31 =	smulhi.u32 $0x55555556, s30;
	s20 =	sshra.s32 s30, $0x1F  }
0x11b: {  	vm9 =	veq.s32 v47, $0x1;
	v48 =	vsel vm8, v53, v48;
	v3 =	vsel vm8, v54, v3;
	s23 =	smul.u32 $0x55555556, s20;
	s14 =	sadd.s32 s29, s26;
	s26 =	spop (v2sf)  }
0x11c: {  	[tilespmem:s24+$0x9630] =	vst v41;
	v41 =	vld [tilespmem:s24+$0x1950];
	v48 =	vadd.s32 v3, v48;
	v3 =	vsel vm0, s0, v55;
	s25 =	sshrl.u32 s5, $0x1F;
	(v2sf) =	vpush v20, $0x1;
	s0 =	smulhi.u32 $0x55555556, s26;
	s29 =	sshra.s32 s26, $0x1F  }
0x11d: {  	[tilespmem:s24+$0xC800] =	vst v6;
	v6 =	vnsel vm9, $0x0, v31;
	s28 =	sshrl.u32 s1, $0x1F;
	v3 =	vsel vm1, s2, v3;
	(v2sf) =	vpush v20, $0x0;
	s30 =	spop (v2sf);
	s2 =	smul.u32 $0x55555556, s29  }
0x11e: {  	v59 =	vsel vm2, s7, v51;
	v56 =	vmul.u32 $0xFFFFFFFD, v48;
	s11 =	sadd.s32 s11, s13;
	(v2sf) =	vpush v20, $0x2;
	s1 =	smulhi.u32 $0x55555556, s30;
	s19 =	sshra.s32 s30, $0x1F  }
0x11f: {  	v50 =	vsel vm2, s10, v50;
	v52 =	vmov s22;
	v3 =	vsel vm2, s3, v3;
	s13 =	sadd.s32 s23, s31;
	s31 =	spop (v2sf);
	s4 =	smul.u32 $0x55555556, s19  }
0x120: {  	[tilespmem:s24+$0x7080] =	vst v10;
	s20 =	sshrl.u32 s3, $0x1F;
	v60 =	vmov s28;
	v61 =	vsel vm4, s12, v50;
	(v2sf) =	vpush v20, $0x3;
	s3 =	smulhi.u32 $0x55555556, s31;
	s23 =	sshra.s32 s31, $0x1F  }
0x121: {  	[tilespmem:s24+$0xBB80] =	vst v17;
	s28 =	sshrl.u32 s17, $0x1F;
	v10 =	vsel vm0, s21, v52;
	v17 =	vmul.f32 $7.812500000e-03, v41;
	v62 =	vsel vm0, s8, v60;
	s26 =	spop (v2sf);
	s6 =	smul.u32 $0x55555556, s23  }
0x122: {  	v3 =	vcombine.low v59, v3;
	v63 =	vsel vm5, s11, v61;
	s5 =	smulhi.u32 $0x55555556, s26;
	s29 =	sshra.s32 s26, $0x1F;
	s31 =	spop (v2sf);
	(v2sf) =	vpush v20, $0x4  }
0x123: {  	[tilespmem:s24+$0x5780] =	vst v9;
	s15 =	sshrl.u32 s15, $0x1F;
	s18 =	sshrl.u32 s10, $0x1F;
	v51 =	vmov s28;
	v10 =	vsel vm1, s25, v10;
	v56 =	vadd.s32 v4, v56;
	s8 =	smul.u32 $0x55555556, s29  }
0x124: {  	[tilespmem:s24+$0x4B00] =	vst v8;
	v9 =	vnsel vm3, $0x0, v51;
	v53 =	vsel vm1, s16, v62;
	v8 =	vsel vm6, s14, v63;
	s30 =	sshrl.u32 s7, $0x1F;
	s7 =	smulhi.u32 $0x55555556, s31;
	s17 =	sshra.s32 s31, $0x1F  }
0x125: {  	[tilespmem:s24+$0x6400] =	vst v14;
	v55 =	vld [tilespmem:s24+$0x3EF0];
	s21 =	sshrl.u32 s11, $0x1F;
	vm11 =	vne.s32 v56, $0x0;
	v9 =	vsel vm0, s9, v9;
	v54 =	vsel vm2, s20, v53;
	s9 =	smul.u32 $0x55555556, s17;
	s17 =	spop (v2sf)  }
0x126: {  	[tilespmem:s24+$0x8980] =	vst v18;
	s22 =	sshrl.u32 s14, $0x1F;
	v8 =	vsel vm7, s13, v8;
	v3 =	vperm.xlane v3, v0;
	(v2sf) =	vpush v20, $0x5;
	s10 =	smulhi.u32 $0x55555556, s17;
	s16 =	sshra.s32 s17, $0x1F  }
0x127: {  	[tilespmem:s24+$0xA280] =	vst v11;
	vm9 =	vmand vm10, vm11;
	vm10 =	vlt.s32 v56, $0x0;
	vm11 =	vlt.s32 v22, $0x1;
	s19 =	sshrl.u32 s12, $0x1F;
	s20 =	spop (v2sf);
	s12 =	smul.u32 $0x55555556, s16  }
0x128: {  	[tilespmem:s24+$0xAF00] =	vst v19;
	s25 =	sshrl.u32 s13, $0x1F;
	v9 =	vsel vm1, s15, v9;
	v10 =	vsel vm2, s30, v10;
	v57 =	vperm.xlane v8, v1;
	s11 =	smulhi.u32 $0x55555556, s20;
	s16 =	sshra.s32 s20, $0x1F  }
0x129: {  	[tilespmem:s24+$0x9600] =	vst v12;
	v49 =	vsel vm9, $0xFFFFFFFF, v2;
	v9 =	vsel vm2, s18, v9;
	s0 =	sadd.s32 s2, s0;
	(v2sf) =	vpush v20, $0x6;
	s14 =	smul.u32 $0x55555556, s16;
	s23 =	spop (v2sf)  }
0x12a: {  	[tilespmem:s24+$0x4B10] =	vst v16;
	v9 =	vsel vm4, s19, v9;
	v60 =	vsel vm8, v57, v3;
	v3 =	vtrunc.f32 v55;
	s9 =	sadd.s32 s9, s7;
	s13 =	smulhi.u32 $0x55555556, s23;
	s16 =	sshra.s32 s23, $0x1F  }
0x12b: {  	[tilespmem:s24+$0x5790] =	vst v15;
	v61 =	vld [tilespmem:s24+$0x1930];
	v9 =	vsel vm5, s21, v9;
	v3 =	vcvt.f32.s32 v3;
	(v2sf) =	vpush v20, $0x7;
	s10 =	sadd.s32 s12, s10;
	s26 =	spop (v2sf);
	s15 =	smul.u32 $0x55555556, s16  }
0x12c: {  	[tilespmem:s24+$0x6410] =	vst v7;
	v63 =	vld [tilespmem:s24+$0x25B0];
	vm9 =	veq.s32 v47, $0x2;
	v10 =	vcombine.low v10, v54;
	v9 =	vsel vm6, s22, v9;
	s16 =	smulhi.u32 $0x55555556, s26;
	s17 =	sshra.s32 s26, $0x1F;
	s28 =	spop (v2sf)  }
0x12d: {  	[tilespmem:s24+$0x9610] =	vst v27;
	v51 =	vld [tilespmem:s24+$0xCC0];
	v52 =	vadd.s32 v49, v48;
	v58 =	vsel vm7, s25, v9;
	s11 =	sadd.s32 s14, s11;
	s17 =	smul.u32 $0x55555556, s17;
	s29 =	spop (v2sf);
	(v2sf) =	vpush v3, $0xD  }
0x12e: {  	[tilespmem:s24+$0x89B0] =	vst v39;
	v39 =	vld [tilespmem:s24+$0xCD0];
	v59 =	vperm.xlane v10, v0;
	v8 =	vperm.xlane v58, v1;
	v27 =	vmov s10;
	s10 =	sshrl.u32 s10, $0x1F;
	s18 =	smulhi.u32 $0x55555556, s28;
	s19 =	sshra.s32 s28, $0x1F  }
0x12f: {  	[tilespmem:s24+$0xC810] =	vst v21;
	v53 =	vld [tilespmem:s24+$0x1940];
	v54 =	vadd.s32 $0x3, v56;
	v16 =	vsel vm0, s9, v27;
	s9 =	sshrl.u32 s9, $0x1F;
	s21 =	smul.u32 $0x55555556, s19;
	s30 =	spop (v2sf);
	(v2sf) =	vpush v3, $0xC  }
0x130: {  	[tilespmem:s24+$0x7D10] =	vst v36;
	v56 =	vsel vm10, v54, v56;
	v62 =	vsel vm8, v8, v59;
	v16 =	vsel vm1, s11, v16;
	s11 =	sshrl.u32 s11, $0x1F;
	s20 =	smulhi.u32 $0x55555556, s29;
	s19 =	sshra.s32 s29, $0x1F  }
0x131: {  	[tilespmem:s24+$0xA2A0] =	vst v42;
	v42 =	vld [tilespmem:s24+$0x25D0];
	v59 =	vmul.f32 $7.812500000e-03, v61;
	v61 =	vnsel vm9, $0x0, v31;
	s13 =	sadd.s32 s15, s13;
	s22 =	smul.u32 $0x55555556, s19;
	s31 =	spop (v2sf);
	(v2sf) =	vpush v3, $0xE  }
0x132: {  	[tilespmem:s24+$0xA290] =	vst v32;
	v9 =	vadd.s32 v62, v60;
	v60 =	vmul.f32 $7.812500000e-03, v63;
	v62 =	vmul.f32 $7.812500000e-03, v51;
	s19 =	sadd.s32 s4, s1;
	s4 =	smulhi.u32 $0x55555556, s30;
	s2 =	sshra.s32 s30, $0x1F  }
0x133: {  	v58 =	vld [tilespmem:s24+$0x25C0];
	v50 =	vmul.u32 $0xFFFFFFFD, v9;
	v16 =	vsel vm2, s13, v16;
	s13 =	sshrl.u32 s13, $0x1F;
	s1 =	sadd.s32 s6, s3;
	s6 =	smul.u32 $0x55555556, s2;
	(v2sf) =	vpush v3, $0xF  }
0x134: {  	[tilespmem:s24+$0x7D30] =	vst v38;
	v38 =	vld [tilespmem:s24+$0x50];
	v63 =	vmul.f32 $7.812500000e-03, v53;
	v32 =	vmov s10;
	v51 =	vmul.f32 $7.812500000e-03, v39;
	s2 =	sadd.s32 s8, s5;
	s8 =	sadd.s32 s17, s16;
	s5 =	sadd.s32 s21, s18  }
0x135: {  	[tilespmem:s24+$0xC830] =	vst v31;
	v31 =	vld [tilespmem:s24+$0x1960];
	v55 =	vadd.s32 v22, v50;
	v22 =	vmov s19;
	s23 =	smulhi.u32 $0x55555556, s31;
	s3 =	sshra.s32 s31, $0x1F;
	s26 =	spop (v2sf);
	(v2sf) =	vpush v3, $0x9  }
0x136: {  	[tilespmem:s24+$0x4B20] =	vst v34;
	v53 =	vmul.f32 $7.812500000e-03, v42;
	v21 =	vsel vm0, s9, v32;
	v15 =	vsel vm0, s0, v22;
	s21 =	sadd.s32 s22, s20;
	s0 =	sshrl.u32 s0, $0x1F;
	s25 =	smul.u32 $0x55555556, s3  }
0x137: {  	[tilespmem:s24+$0x57A0] =	vst v29;
	vm10 =	vlt.s32 v55, $0x0;
	v57 =	vadd.s32 $0x3, v55;
	s17 =	sshrl.u32 s5, $0x1F;
	s28 =	smulhi.u32 $0x55555556, s26;
	s3 =	sshra.s32 s26, $0x1F;
	(v2sf) =	vpush v3, $0x8  }
0x138: {  	[tilespmem:s24+$0x8990] =	vst v33;
	v12 =	vmul.f32 $7.812500000e-03, v58;
	v21 =	vsel vm1, s11, v21;
	v4 =	vsel vm10, v57, v55;
	s22 =	sadd.s32 s6, s4;
	s30 =	spop (v2sf);
	s29 =	smul.u32 $0x55555556, s3  }
0x139: {  	[tilespmem:s24+$0xAF10] =	vst v35;
	vm10 =	vne.s32 v55, $0x0;
	v15 =	vsel vm1, s1, v15;
	s1 =	sshrl.u32 s1, $0x1F;
	s31 =	smulhi.u32 $0x55555556, s30;
	s3 =	sshra.s32 s30, $0x1F;
	(v2sf) =	vpush v3, $0xA  }
0x13a: {  	v50 =	vmul.f32 $7.812500000e-03, v38;
	[tilespmem:s24+$0x70C0] =	vst v12;
	v12 =	vmul.f32 $7.812500000e-03, v31;
	vm9 =	vmand vm11, vm10;
	s18 =	smul.u32 $0x55555556, s3;
	s26 =	sadd.s32 s29, s28;
	s28 =	spop (v2sf)  }
0x13b: {  	[tilespmem:s24+$0xBB90] =	vst v37;
	v37 =	vld [tilespmem:s24+$0x3240];
	v21 =	vsel vm2, s13, v21;
	vm10 =	veq.s32 v52, $0x0;
	s30 =	sshrl.u32 s19, $0x1F;
	(v2sf) =	vpush v3, $0xB;
	s29 =	smulhi.u32 $0x55555556, s28;
	s12 =	sshra.s32 s28, $0x1F  }
0x13c: {  	[tilespmem:s24+$0xC820] =	vst v5;
	v29 =	vmov s5;
	v30 =	vmov s30;
	(v2sf) =	vpush v3, $0x1;
	s4 =	sadd.s32 s18, s31;
	s31 =	smul.u32 $0x55555556, s12;
	s15 =	spop (v2sf)  }
0x13d: {  	[tilespmem:s24+$0x6420] =	vst v25;
	v15 =	vsel vm2, s2, v15;
	v19 =	vsel vm0, s0, v30;
	(v2sf) =	vpush v3, $0x0;
	s12 =	sshrl.u32 s2, $0x1F;
	s0 =	smulhi.u32 $0x55555556, s15;
	s2 =	sshra.s32 s15, $0x1F  }
0x13e: {  	[tilespmem:s24+$0x70A0] =	vst v28;
	s25 =	sadd.s32 s25, s23;
	v15 =	vcombine.low v16, v15;
	v16 =	vnsel vm3, $0x0, v29;
	(v2sf) =	vpush v3, $0x2;
	s14 =	spop (v2sf);
	s19 =	smul.u32 $0x55555556, s2  }
0x13f: {  	[tilespmem:s24+$0x7D20] =	vst v23;
	vm11 =	veq.s32 v56, $0x2;
	v36 =	vsel vm9, $0xFFFFFFFF, v2;
	v16 =	vsel vm0, s8, v16;
	s8 =	sshrl.u32 s8, $0x1F;
	s2 =	smulhi.u32 $0x55555556, s14;
	s10 =	sshra.s32 s14, $0x1F  }
0x140: {  	[tilespmem:s24+$0xBBA0] =	vst v44;
	vm9 =	veq.s32 v52, $0x1;
	v44 =	vnsel vm10, $0x0, v37;
	v34 =	vsel vm1, s21, v16;
	s15 =	sshrl.u32 s21, $0x1F;
	s16 =	smul.u32 $0x55555556, s10;
	s20 =	spop (v2sf)  }
0x141: {  	[tilespmem:s24+$0x89A0] =	vst v26;
	vm10 =	veq.s32 v52, $0x2;
	v33 =	vmov s17;
	v5 =	vsel vm2, s22, v34;
	s21 =	sshrl.u32 s22, $0x1F;
	s22 =	smulhi.u32 $0x55555556, s20;
	s10 =	sshra.s32 s20, $0x1F  }
0x142: {  	[tilespmem:s24+$0x9620] =	vst v24;
	v52 =	vnsel vm11, $0x0, v37;
	v35 =	vnsel vm3, $0x0, v33;
	s6 =	sshrl.u32 s25, $0x1F;
	v5 =	vsel vm4, s25, v5;
	s25 =	spop (v2sf);
	s23 =	smul.u32 $0x55555556, s10  }
0x143: {  	[tilespmem:s24+$0x4B40] =	vst v13;
	v9 =	vadd.s32 v36, v9;
	v16 =	vsel vm0, s8, v35;
	s7 =	sshrl.u32 s26, $0x1F;
	v5 =	vsel vm5, s26, v5;
	s26 =	smulhi.u32 $0x55555556, s25;
	s10 =	sshra.s32 s25, $0x1F  }
0x144: {  	[tilespmem:s24+$0xAF20] =	vst v45;
	v45 =	vnsel vm9, $0x0, v37;
	v19 =	vsel vm1, s1, v19;
	v16 =	vsel vm1, s15, v16;
	s11 =	spop (v2sf);
	s28 =	smul.u32 $0x55555556, s10  }
0x145: {  	[tilespmem:s24+$0x4B30] =	vst v46;
	v19 =	vsel vm2, s12, v19;
	(v2sf) =	vpush v3, $0x3;
	v16 =	vsel vm2, s21, v16;
	s12 =	smulhi.u32 $0x55555556, s11;
	s10 =	sshra.s32 s11, $0x1F  }
0x146: {  	[tilespmem:s24+$0x57B0] =	vst v43;
	v47 =	vld [tilespmem:s24+$0x3250];
	v46 =	vnsel vm10, $0x0, v37;
	vm9 =	veq.s32 v56, $0x0;
	s18 =	sadd.s32 s31, s29;
	v16 =	vsel vm4, s6, v16;
	s13 =	spop (v2sf);
	s10 =	smul.u32 $0x55555556, s10  }
0x147: {  	[tilespmem:s24+$0xA2B0] =	vst v40;
	v5 =	vsel vm6, s4, v5;
	s4 =	sshrl.u32 s4, $0x1F;
	(v2sf) =	vpush v3, $0x4;
	v16 =	vsel vm5, s7, v16;
	s15 =	smulhi.u32 $0x55555556, s13;
	s11 =	sshra.s32 s13, $0x1F  }
0x148: {  	[tilespmem:s24+$0xAF30] =	vst v6;
	vm10 =	veq.s32 v56, $0x1;
	s9 =	sshrl.u32 s18, $0x1F;
	(v2sf) =	vpush v3, $0x5;
	v16 =	vsel vm6, s4, v16;
	s14 =	spop (v2sf);
	s11 =	smul.u32 $0x55555556, s11  }
0x149: {  	[tilespmem:s24+$0x6450] =	vst v17;
	v48 =	vnsel vm9, $0x0, v37;
	v49 =	vnsel vm10, $0x0, v37;
	s0 =	sadd.s32 s19, s0;
	v16 =	vsel vm7, s9, v16;
	s31 =	smulhi.u32 $0x55555556, s14;
	s9 =	sshra.s32 s14, $0x1F  }
0x14a: {  	[tilespmem:s24+$0xC840] =	vst v37;
	v19 =	vcombine.low v21, v19;
	v5 =	vsel vm7, s18, v5;
	(v2sf) =	vpush v3, $0x6;
	s1 =	sadd.s32 s23, s22;
	s29 =	spop (v2sf);
	s18 =	smul.u32 $0x55555556, s9  }
0x14b: {  	[tilespmem:s24+$0xC850] =	vst v47;
	vm9 =	veq.s32 v9, $0x0;
	v15 =	vperm.xlane v15, v0;
	v5 =	vperm.xlane v5, v1;
	s30 =	spop (v2sf);
	s19 =	smulhi.u32 $0x55555556, s29;
	s13 =	sshra.s32 s29, $0x1F  }
0x14c: {  	[tilespmem:s24+$0xBBB0] =	vst v61;
	vm10 =	veq.s32 v4, $0x0;
	v43 =	vperm.xlane v19, v0;
	v16 =	vperm.xlane v16, v1;
	s9 =	sadd.s32 s16, s2;
	s17 =	spop (v2sf);
	s20 =	smul.u32 $0x55555556, s13  }
0x14d: {  	v26 =	vld [tilespmem:s24+$0x60];
	[tilespmem:s24+$0x6430] =	vst v59;
	v55 =	vnsel vm9, $0x0, v47;
	vm9 =	veq.s32 v9, $0x1;
	s21 =	smulhi.u32 $0x55555556, s30;
	s22 =	sshra.s32 s30, $0x1F;
	s23 =	spop (v2sf);
	(v2sf) =	vpush v3, $0x7  }
0x14e: {  	[tilespmem:s24+$0x70B0] =	vst v60;
	v58 =	vnsel vm10, $0x0, v47;
	v33 =	vld [tilespmem:s24+$0x25E0];
	v15 =	vsel vm8, v5, v15;
	s2 =	sadd.s32 s28, s26;
	s8 =	sadd.s32 s10, s12;
	v16 =	vsel vm8, v16, v43;
	s25 =	smul.u32 $0x55555556, s22  }
0x14f: {  	vm10 =	vlt.s32 v20, $0x1;
	[tilespmem:s24+$0xAF40] =	vst v49;
	v49 =	vld [tilespmem:s24+$0xCF0];
	v56 =	vnsel vm9, $0x0, v47;
	s11 =	sadd.s32 s11, s15;
	v54 =	vadd.s32 v16, v15;
	s26 =	smulhi.u32 $0x55555556, s17;
	s28 =	sshra.s32 s17, $0x1F  }
0x150: {  	v39 =	vld [tilespmem:s24+$0x3260];
	[tilespmem:s24+$0x57C0] =	vst v62;
	vm9 =	veq.s32 v9, $0x2;
	v60 =	vmov s9;
	s9 =	sshrl.u32 s9, $0x1F;
	s15 =	sadd.s32 s18, s31;
	v15 =	vmul.u32 $0xFFFFFFFD, v54;
	s30 =	smul.u32 $0x55555556, s28  }
0x151: {  	[tilespmem:s24+$0x6440] =	vst v63;
	v29 =	vld [tilespmem:s24+$0xCE0];
	v57 =	vnsel vm9, $0x0, v47;
	vm9 =	veq.s32 v4, $0x1;
	v24 =	vmov s9;
	s9 =	sshrl.u32 s2, $0x1F;
	s17 =	sadd.s32 s20, s19;
	s20 =	sadd.s32 s25, s21  }
0x152: {  	[tilespmem:s24+$0x57D0] =	vst v51;
	v61 =	vnsel vm9, $0x0, v47;
	v59 =	vadd.s32 v20, v15;
	s22 =	sadd.s32 s30, s26;
	v20 =	vmov s11;
	s11 =	sshrl.u32 s11, $0x1F;
	s30 =	sshrl.u32 s15, $0x1F  }
0x153: {  	[tilespmem:s24+$0x70D0] =	vst v53;
	v35 =	vmul.f32 $7.812500000e-03, v26;
	v40 =	vmul.f32 $7.812500000e-03, v33;
	v23 =	vsel vm0, s8, v20;
	s8 =	sshrl.u32 s8, $0x1F;
	s31 =	smulhi.u32 $0x55555556, s23;
	s13 =	sshra.s32 s23, $0x1F  }
0x154: {  	[tilespmem:s24+$0x9650] =	vst v57;
	v57 =	vmul.f32 $7.812500000e-03, v49;
	vm11 =	vne.s32 v59, $0x0;
	v25 =	vmov s11;
	s11 =	sshrl.u32 s17, $0x1F;
	s6 =	spop (v2sf);
	s19 =	smul.u32 $0x55555556, s13  }
0x155: {  	[tilespmem:s24+$0x4B50] =	vst v50;
	vm10 =	vmand vm10, vm11;
	vm11 =	veq.s32 v4, $0x2;
	v4 =	vsel vm0, s0, v60;
	s0 =	sshrl.u32 s0, $0x1F;
	s25 =	smulhi.u32 $0x55555556, s6;
	s6 =	sshra.s32 s6, $0x1F  }
0x156: {  	[tilespmem:s24+$0xC860] =	vst v39;
	v37 =	vmul.f32 $7.812500000e-03, v29;
	v30 =	vmov s22;
	v11 =	vsel vm1, s15, v23;
	s15 =	sshrl.u32 s22, $0x1F;
	s29 =	spop (v2sf);
	s6 =	smul.u32 $0x55555556, s6  }
0x157: {  	[tilespmem:s24+$0x6460] =	vst v12;
	v15 =	vsel vm0, s8, v25;
	v18 =	vnsel vm3, $0x0, v30;
	v4 =	vsel vm1, s1, v4;
	s3 =	spop (v2sf);
	s26 =	smulhi.u32 $0x55555556, s29;
	s28 =	sshra.s32 s29, $0x1F  }
0x158: {  	[tilespmem:s24+$0x7D40] =	vst v44;
	v11 =	vsel vm2, s17, v11;
	v14 =	vsel vm0, s0, v24;
	v28 =	vsel vm1, s30, v15;
	s23 =	sadd.s32 s19, s31;
	s29 =	sshrl.u32 s1, $0x1F;
	s31 =	smul.u32 $0x55555556, s28  }
0x159: {  	[tilespmem:s24+$0xBBC0] =	vst v52;
	v32 =	vmov s15;
	v4 =	vsel vm2, s2, v4;
	s21 =	spop (v2sf);
	v27 =	vsel vm1, s29, v14;
	s12 =	smulhi.u32 $0x55555556, s3;
	s13 =	sshra.s32 s3, $0x1F  }
0x15a: {  	[tilespmem:s24+$0x89C0] =	vst v45;
	v4 =	vcombine.low v11, v4;
	v14 =	vsel vm2, s11, v28;
	s16 =	sadd.s32 s6, s25;
	s3 =	sshrl.u32 s20, $0x1F;
	v11 =	vsel vm2, s9, v27;
	s18 =	smul.u32 $0x55555556, s13  }
0x15b: {  	[tilespmem:s24+$0x9640] =	vst v46;
	v18 =	vsel vm0, s20, v18;
	s19 =	smulhi.u32 $0x55555556, s21;
	s4 =	sshra.s32 s21, $0x1F;
	s21 =	sshrl.u32 s23, $0x1F;
	v11 =	vcombine.low v14, v11;
	v14 =	vnsel vm3, $0x0, v32  }
0x15c: {  	[tilespmem:s24+$0xA2C0] =	vst v48;
	vm9 =	vlt.s32 v59, $0x0;
	v18 =	vsel vm1, s23, v18;
	s1 =	sshrl.u32 s16, $0x1F;
	s4 =	smul.u32 $0x55555556, s4;
	v14 =	vsel vm0, s3, v14;
	s20 =	spop (v2sf)  }
0x15d: {  	[tilespmem:s24+$0x7D50] =	vst v55;
	v34 =	vadd.s32 $0x3, v59;
	v36 =	vsel vm2, s16, v18;
	s17 =	sadd.s32 s31, s26;
	v14 =	vsel vm1, s21, v14;
	s22 =	smulhi.u32 $0x55555556, s20;
	s8 =	sshra.s32 s20, $0x1F  }
0x15e: {  	[tilespmem:s24+$0xA2D0] =	vst v58;
	v6 =	vsel vm9, v34, v59;
	v38 =	vsel vm4, s17, v36;
	s2 =	sadd.s32 s18, s12;
	s25 =	sshrl.u32 s17, $0x1F;
	v14 =	vsel vm2, s1, v14;
	s23 =	smul.u32 $0x55555556, s8  }
0x15f: {  	[tilespmem:s24+$0x89D0] =	vst v56;
	v56 =	vld [tilespmem:s24+$0x3270];
	v62 =	vnsel vm11, $0x0, v47;
	v15 =	vsel vm5, s2, v38;
	s0 =	sadd.s32 s4, s19;
	s28 =	sshrl.u32 s2, $0x1F;
	v14 =	vsel vm4, s25, v14  }
0x160: {  	[tilespmem:s24+$0xAF50] =	vst v61;
	v63 =	vsel vm10, $0xFFFFFFFF, v2;
	v15 =	vsel vm6, s0, v15;
	s0 =	sshrl.u32 s0, $0x1F;
	v14 =	vsel vm5, s28, v14;
	s29 =	sadd.s32 s23, s22  }
0x161: {  	[tilespmem:s24+$0x4B60] =	vst v35;
	v10 =	vadd.s32 v63, v54;
	v4 =	vperm.xlane v4, v0;
	v14 =	vsel vm6, s0, v14;
	s30 =	sshrl.u32 s29, $0x1F  }
0x162: {  	[tilespmem:s24+$0x70E0] =	vst v40;
	v11 =	vperm.xlane v11, v0;
	v41 =	vsel vm7, s29, v15;
	v43 =	vsel vm7, s30, v14  }
0x163: {  	[tilespmem:s24+$0x57F0] =	vst v57;
	vm10 =	veq.s32 v10, $0x0;
	v42 =	vperm.xlane v41, v1;
	v9 =	vperm.xlane v43, v1  }
0x164: {  	[tilespmem:s24+$0xC870] =	vst v56;
	vm11 =	veq.s32 v10, $0x1;
	vm9 =	veq.s32 v10, $0x2;
	v44 =	vnsel vm10, $0x0, v39  }
0x165: {  	v46 =	vld [tilespmem:s24+$0x70];
	[tilespmem:s24+$0x57E0] =	vst v37;
	v45 =	vnsel vm11, $0x0, v39;
	v4 =	vsel vm8, v42, v4;
	v47 =	vsel vm8, v9, v11  }
0x166: {  	[tilespmem:s24+$0xBBD0] =	vst v62;
	v48 =	vnsel vm9, $0x0, v39;
	vm9 =	veq.s32 v6, $0x0;
	v4 =	vadd.s32 v47, v4  }
0x167: {  	v51 =	vld [tilespmem:s24+$0x1970];
	[tilespmem:s24+$0x7D60] =	vst v44;
	v50 =	vnsel vm9, $0x0, v39;
	vm9 =	veq.s32 v6, $0x1;
	v52 =	vmul.u32 $0xFFFFFFFD, v4  }
0x168: {  	v54 =	vld [tilespmem:s24+$0x25F0];
	[tilespmem:s24+$0x89E0] =	vst v45;
	v53 =	vnsel vm9, $0x0, v39;
	vm9 =	veq.s32 v6, $0x2  }
0x169: {  	[tilespmem:s24+$0x9660] =	vst v48;
	v55 =	vnsel vm9, $0x0, v39;
	v10 =	vadd.s32 v3, v52  }
0x16a: {  	[tilespmem:s24+$0xA2E0] =	vst v50;
	vm9 =	vlt.s32 v3, $0x1;
	v3 =	vmul.f32 $7.812500000e-03, v46;
	vm10 =	vne.s32 v10, $0x0  }
0x16b: {  	[tilespmem:s24+$0xAF60] =	vst v53;
	vm9 =	vmand vm9, vm10  }
0x16c: {  	[tilespmem:s24+$0x4B70] =	vst v3;
	v3 =	vmul.f32 $7.812500000e-03, v51;
	v58 =	vsel vm9, $0xFFFFFFFF, v2  }
0x16d: {  	v59 =	vmul.f32 $7.812500000e-03, v54;
	[tilespmem:s24+$0xBBE0] =	vst v55;
	v4 =	vadd.s32 v58, v4  }
0x16e: {  	s31 =	rddreg [dreg:$0xe];
	vm9 =	vlt.s32 v10, $0x0;
	[tilespmem:s24+$0x6470] =	vst v3;
	v3 =	vadd.s32 $0x3, v10;
	vm10 =	veq.s32 v4, $0x0  }
0x16f: {  	[tilespmem:s24+$0x70F0] =	vst v59;
	s0 =	sadd.s32 $0x8, s31;
	v3 =	vsel vm9, v3, v10;
	vm9 =	veq.s32 v4, $0x2;
	v60 =	vnsel vm10, $0x0, v56  }
0x170: {  	p0 =	slt.u32 s0, $0xC0;
	vm10 =	veq.s32 v4, $0x1;
	v4 =	vnsel vm9, $0x0, v56;
	[tilespmem:s24+$0x7D70] =	vst v60  }
.Ltmp0:
0x171: {  	vm9 =	veq.s32 v3, $0x0;
	v61 =	vnsel vm10, $0x0, v56;
	[tilespmem:s24+$0x9670] =	vst v4;
	(pc) =	sbr.rel @p0 .LBB2_3-.Ltmp0, $4  }
0x172: {  	v62 =	vnsel vm9, $0x0, v56;
	vm9 =	veq.s32 v3, $0x1;
	[tilespmem:s24+$0x89F0] =	vst v61  }
0x173: {  	[tilespmem:s24+$0xA2F0] =	vst v62;
	v63 =	vnsel vm9, $0x0, v56;
	vm9 =	veq.s32 v3, $0x2  }
0x174: {  	s26 =	rddreg [dreg:$0xb];
	[tilespmem:s24+$0xAF70] =	vst v63;
	v3 =	vnsel vm9, $0x0, v56  }
0x175: {  	s5 =	sadd.s32 $0x200, s26;
	[tilespmem:s24+$0xBBF0] =	vst v3  }
0x176: {  	s2 =	rddreg [dreg:$0x1]  }
0x177: {  	s0 =	rddreg [dreg:$0x7];
	s3 =	simm.s32 $0x0  }
0x178: {  	s1 =	simm.s32 $0x4B00;
	s4 =	simm.s32 $0x1;
	s0 =	sadd.s32 s2, s0  }
0x179: {  	[hbm4b:s0+s3] =	stream.linear.scatter [tilespmem:s1], [sflag:$0x1], $0xC80, $0x38;
	[tilespmem:$0xD480] =	vst v63  }
0x17a: {  	_ =	swait.ge [sflag:s4], $0xC80  }
0x17b: {  	[sflag:s4] =	ssyncset.done $0x0;
	s12 =	rddreg [dreg:$0x8]  }
0x17c: {  	s5 =	simm.s32 $0x5780;
	[sflag:s4] =	ssyncadd.s32 $0xFFFFF380;
	s1 =	sadd.s32 s2, s12  }
0x17d: {  	[hbm4b:s1+s3] =	stream.linear.scatter [tilespmem:s5], [sflag:$0x1], $0xC80, $0x38;
	[tilespmem:$0xD480] =	vst v63  }
0x17e: {  	_ =	swait.ge [sflag:s4], $0xC80  }
0x17f: {  	[sflag:s4] =	ssyncset.done $0x0;
	s13 =	rddreg [dreg:$0x9]  }
0x180: {  	s14 =	simm.s32 $0x6400;
	[sflag:s4] =	ssyncadd.s32 $0xFFFFF380;
	s1 =	sadd.s32 s2, s13  }
0x181: {  	[hbm4b:s1+s3] =	stream.linear.scatter [tilespmem:s14], [sflag:$0x1], $0xC80, $0x38;
	[tilespmem:$0xD480] =	vst v63  }
0x182: {  	_ =	swait.ge [sflag:s4], $0xC80  }
0x183: {  	[sflag:s4] =	ssyncset.done $0x0;
	s15 =	rddreg [dreg:$0xa]  }
0x184: {  	s16 =	simm.s32 $0x7080;
	[sflag:s4] =	ssyncadd.s32 $0xFFFFF380;
	s1 =	sadd.s32 s2, s15  }
0x185: {  	[hbm4b:s1+s3] =	stream.linear.scatter [tilespmem:s16], [sflag:$0x1], $0xC80, $0x38;
	[tilespmem:$0xD480] =	vst v63  }
0x186: {  	_ =	swait.ge [sflag:s4], $0xC80  }
0x187: {  	[sflag:s4] =	ssyncset.done $0x0;
	s17 =	rddreg [dreg:$0xc]  }
0x188: {  	s18 =	simm.s32 $0x7D00;
	[sflag:s4] =	ssyncadd.s32 $0xFFFFF380;
	s1 =	sadd.s32 s2, s17  }
0x189: {  	[hbm4b:s1+s3] =	stream.linear.scatter [tilespmem:s18], [sflag:$0x1], $0xC80, $0x38;
	[tilespmem:$0xD480] =	vst v63  }
0x18a: {  	_ =	swait.ge [sflag:s4], $0xC80  }
0x18b: {  	[sflag:s4] =	ssyncset.done $0x0;
	s19 =	rddreg [dreg:$0xd]  }
0x18c: {  	s20 =	simm.s32 $0x8980;
	[sflag:s4] =	ssyncadd.s32 $0xFFFFF380;
	s1 =	sadd.s32 s2, s19  }
0x18d: {  	[hbm4b:s1+s3] =	stream.linear.scatter [tilespmem:s20], [sflag:$0x1], $0xC80, $0x38;
	[tilespmem:$0xD480] =	vst v63  }
0x18e: {  	_ =	swait.ge [sflag:s4], $0xC80  }
0x18f: {  	[sflag:s4] =	ssyncset.done $0x0  }
0x190: {  	s22 =	simm.s32 $0x9600;
	s21 =	sadd.s32 $0x258000, s0;
	[sflag:s4] =	ssyncadd.s32 $0xFFFFF380  }
0x191: {  	[hbm4b:s21+s3] =	stream.linear.scatter [tilespmem:s22], [sflag:$0x1], $0xC80, $0x38;
	[tilespmem:$0xD480] =	vst v63  }
0x192: {  	_ =	swait.ge [sflag:s4], $0xC80  }
0x193: {  	[sflag:s4] =	ssyncset.done $0x0  }
0x194: {  	s24 =	simm.s32 $0xA280;
	s23 =	sadd.s32 $0x2BC000, s0;
	[sflag:s4] =	ssyncadd.s32 $0xFFFFF380  }
0x195: {  	[hbm4b:s23+s3] =	stream.linear.scatter [tilespmem:s24], [sflag:$0x1], $0xC80, $0x38;
	[tilespmem:$0xD480] =	vst v63  }
0x196: {  	_ =	swait.ge [sflag:s4], $0xC80  }
0x197: {  	[sflag:s4] =	ssyncset.done $0x0  }
0x198: {  	s26 =	simm.s32 $0xAF00;
	s25 =	sadd.s32 $0x320000, s0;
	[sflag:s4] =	ssyncadd.s32 $0xFFFFF380  }
0x199: {  	[hbm4b:s25+s3] =	stream.linear.scatter [tilespmem:s26], [sflag:$0x1], $0xC80, $0x38;
	[tilespmem:$0xD480] =	vst v63  }
0x19a: {  	_ =	swait.ge [sflag:s4], $0xC80  }
0x19b: {  	[sflag:s4] =	ssyncset.done $0x0  }
0x19c: {  	s29 =	simm.s32 $0xBB80;
	s28 =	sadd.s32 $0x384000, s0;
	[sflag:s4] =	ssyncadd.s32 $0xFFFFF380  }
0x19d: {  	[hbm4b:s28+s3] =	stream.linear.scatter [tilespmem:s29], [sflag:$0x1], $0xC80, $0x38;
	[tilespmem:$0xD480] =	vst v63  }
0x19e: {  	_ =	swait.ge [sflag:s4], $0xC80  }
0x19f: {  	[sflag:s4] =	ssyncset.done $0x0  }
0x1a0: {  	s30 =	simm.s32 $0xC800;
	s0 =	sadd.s32 $0x3E8000, s0;
	[sflag:s4] =	ssyncadd.s32 $0xFFFFF380  }
0x1a1: {  	[hbm4b:s0+s3] =	stream.linear.scatter [tilespmem:s30], [sflag:$0x1], $0xC80, $0x38;
	[tilespmem:$0xD480] =	vst v63  }
0x1a2: {  	_ =	swait.ge [sflag:s4], $0xC80  }
0x1a3: {  	s31 =	rddreg [dreg:$0x6]  }
0x1a4: {  	s0 =	sadd.s32 $0x1, s31  }
0x1a5: {  	p0 =	sne.s32 s0, $0x20  }
.Ltmp1:
0x1a6: {  	_ = 	snop;
	(pc) =	sbr.rel @p0 .LBB2_2-.Ltmp1, $3  }
0x1a7: {  	_ =	sdelay $0x1  }
0x1a8: {  	[sflag:s4] =	ssyncset.done $0x0  }
0x1a9: {  	[sflag:s4] =	ssyncadd.s32 $0xFFFFF380  }
0x1aa: {  	s1 =	rddreg [dreg:$0x5]  }
0x1ab: {  	s0 =	rddreg [dreg:$0x4];
	s1 =	sadd.s32 $0x1, s1  }
0x1ac: {  	p0 =	sne.s32 s1, s0  }
.Ltmp2:
0x1ad: {  	_ = 	snop;
	(pc) =	sbr.rel @p0 .LBB2_1-.Ltmp2, $1  }
0x1ae: {  	_ =	sdelay $0x3  }
0x1af: {  	_ =	sfence.sel $0x180000  }
0x1b0: {  	[bflag:$0x0] =	sbarrier.arrive $0xFFFF  }
0x1b1: {  	_ =	strace $0x90000047  }
0x1b2: {  	s0 =	stileid.u32;
	[bflag:$0x2] =	sbarrier.arrive $0xFFFF  }
0x1b3: {  	p0 =	sne.s32 s0, $0x0;
	s0 =	rddreg [dreg:$0x2]  }
0x1b4: {  	s0 =	sadd.s32 @!p0 $0x100000, s0  }
0x1b5: {  	[sflag:s0] =	ssyncadd.tile.s32 @!p0 $0x1;
	_ =	shalt  }
.Lfunc_end2:
_tile_overlayer_lowered:
.L_overlay_start_2:
0x1b6: {  	(tag) =	ssettag $0x2  }
0x1b7: {  	s0 =	rddreg [dreg:$0x0];
	s2 =	stileid.u32  }
0x1b8: {  	s1 =	rddreg [dreg:$0x1];
	p0 =	sne.s32 s2, $0x0  }
0x1b9: {  	s3 =	rddreg [dreg:$0x2];
	[bflag:$0x3] =	sbarrier.arrive $0xFFFF;
	s2 =	simm.s32 @!p0 $0x1C01  }
0x1ba: {  	[timem:s3], [sflag:s2] =	dma.local @!p0 [hbm:s0], s1  }
0x1bb: {  	s0 =	simm.s32 @!p0 $0x1  }
0x1bc: {  	_ =	swait.ge @!p0 [sflag:s0], s1  }
0x1bd: {  	s1 =	ssub.s32 @!p0 $0x0, s1;
	[sflag:s0] =	ssyncset.done @!p0 $0x0  }
0x1be: {  	[sflag:s0] =	ssyncadd.s32 @!p0 s1  }
0x1bf: {  	[bflag:$0x3] =	sbarrier.arrive $0xFFFF  }
0x1c0: {  	_ =	shalt  }

</sc_bundles>
